<compile_context>
chip_gen: v7x
topology: tpu7x:2x2x1
jax: 0.10.2.dev20260603
libtpu: 0.0.44.dev20260713+nightly
codegen_flags: <defaults>
</compile_context>

<pallas_src>
import jax
import jax.numpy as jnp
from jax import lax
from jax.experimental import pallas as pl
from jax.experimental.pallas import tpu as pltpu
from jax.experimental.pallas import tpu_sc as plsc

N, K, D = 32768, 1024, 64
ROWS_PER_BLOCK = 1024
NUM_BLOCKS = N // ROWS_PER_BLOCK
BLOCKS_LO = 25
BLOCKS_HI = NUM_BLOCKS - BLOCKS_LO
NW = 32
CG = N // 128
CG_LO = BLOCKS_LO * (ROWS_PER_BLOCK // 128)
CG_HI = CG - CG_LO
DG = D // 8


def _argmax_body(x_ref, idx_ref):
    xb = x_ref[...]
    m = jnp.max(xb, axis=-1, keepdims=True)
    col = lax.broadcasted_iota(jnp.int32, xb.shape, 1)
    cand = jnp.where(xb == m, col, K)
    am = jnp.min(cand, axis=-1)
    idx_ref[...] = am.reshape(ROWS_PER_BLOCK // 128, 128)


def _tc_argmax_part(x, boff, nblocks):
    return pl.pallas_call(
        _argmax_body,
        grid=(nblocks,),
        in_specs=[
            pl.BlockSpec(
                (ROWS_PER_BLOCK, K),
                lambda b, boff=boff: (boff + b, 0),
            )
        ],
        out_specs=pl.BlockSpec((ROWS_PER_BLOCK // 128, 128), lambda b: (b, 0)),
        out_shape=jax.ShapeDtypeStruct(
            (nblocks * (ROWS_PER_BLOCK // 128), 128), jnp.int32
        ),
    )(x)


def _gather_loop(w_hbm, idx_hbm, w_v, idx_v, outv0, outv1, ncg):
    wid = lax.axis_index("s") * 2 + lax.axis_index("c")
    d0 = wid * 2
    pltpu.sync_copy(w_hbm.at[pl.ds(d0, 2)], w_v)
    pltpu.sync_copy(idx_hbm, idx_v)
    row0 = jnp.zeros((16,), jnp.int32)
    row1 = row0 + 1

    @plsc.parallel_loop(0, ncg, unroll=8)
    def cg_body(cg):
        for g in range(8):
            tok = idx_v[cg, pl.ds(g * 16, 16)]
            v0 = plsc.load_gather(w_v, [row0, tok])
            v1 = plsc.load_gather(w_v, [row1, tok])
            outv0[cg, 0, pl.ds(g * 16, 16)] = v0
            outv1[cg, 0, pl.ds(g * 16, 16)] = v1
    rg = wid // 4
    s0 = (wid % 4) * 2
    return rg, s0


_SC_PARAMS = dict(
    compiler_params=pltpu.CompilerParams(
        use_tc_tiling_on_sc=False, needs_layout_passes=False
    ),
)


def _sc_scratch(ncg):
    return [
        pltpu.VMEM((2, K), jnp.float32),
        pltpu.VMEM((ncg, 128), jnp.int32),
        pltpu.VMEM((ncg, 1, 128), jnp.float32),
        pltpu.VMEM((ncg, 1, 128), jnp.float32),
        pltpu.SemaphoreType.DMA,
    ]


def _sc_gather_lo(W, idx2):
    def body(w_hbm, idx_hbm, out_hbm, w_v, idx_v, outv0, outv1, sem):
        rg, s0 = _gather_loop(w_hbm, idx_hbm, w_v, idx_v, outv0, outv1, CG_LO)
        pltpu.sync_copy(outv0, out_hbm.at[rg, pl.ds(0, CG_LO), pl.ds(s0, 1), :])
        pltpu.sync_copy(outv1, out_hbm.at[rg, pl.ds(0, CG_LO), pl.ds(s0 + 1, 1), :])

    mesh = plsc.VectorSubcoreMesh(core_axis_name="c", subcore_axis_name="s")
    run = pl.kernel(
        body,
        out_type=jax.ShapeDtypeStruct((DG, CG, 8, 128), jnp.float32),
        mesh=mesh,
        scratch_types=_sc_scratch(CG_LO),
        **_SC_PARAMS,
    )
    return run(W, idx2)


def _sc_gather_hi(W, idx2, out_ref):
    def body(w_hbm, idx_hbm, out_hbm, w_v, idx_v, outv0, outv1, sem):
        rg, s0 = _gather_loop(w_hbm, idx_hbm, w_v, idx_v, outv0, outv1, CG_HI)
        pltpu.sync_copy(outv0, out_hbm.at[rg, pl.ds(CG_LO, CG_HI), pl.ds(s0, 1), :])
        pltpu.sync_copy(outv1, out_hbm.at[rg, pl.ds(CG_LO, CG_HI), pl.ds(s0 + 1, 1), :])

    mesh = plsc.VectorSubcoreMesh(core_axis_name="c", subcore_axis_name="s")
    run = pl.kernel(
        body,
        out_type=(),
        mesh=mesh,
        scratch_types=_sc_scratch(CG_HI),
        **_SC_PARAMS,
    )
    run(W, idx2, out_ref)


def kernel(x, W):
    idx_lo = _tc_argmax_part(x, 0, BLOCKS_LO)
    out4_lo = _sc_gather_lo(W, idx_lo)
    idx_hi = _tc_argmax_part(x, BLOCKS_LO, BLOCKS_HI)
    out_ref = jax.new_ref(out4_lo)
    _sc_gather_hi(W, idx_hi, out_ref)
    out4 = out_ref[...]
    return out4.transpose(0, 2, 1, 3).reshape(D, N).T

# --- scband reference (transcript-rebuilt; emitter-appended) ---
"""Pipeline reference for scband-hybrid-quantizer-2345052144228 (READ-ONLY COPY).

The authoritative reference and input builder live on the scoring server;
editing this copy changes nothing except your own understanding.
"""

import jax, jax.numpy as jnp
import numpy as np


def setup_inputs(seed: int = 0) -> dict:
    key = jax.random.key(seed)
    k1, k2 = jax.random.split(key)
    x = jax.random.normal(k1, (32768, 1024), dtype=jnp.float32)
    # nn.Linear(quant_dim=1024, output_dim=64, bias=False) weight: [64, 1024]
    W = jax.random.normal(k2, (64, 1024), dtype=jnp.float32) * (1.0 / np.sqrt(1024.0))
    return {"x": x, "W": W}


def reference(x, W):
    # torch.topk(x, k=1, dim=-1) -> hard argmax indices
    _, idx = jax.lax.top_k(x, 1)
    idx = idx.squeeze(-1)  # [N]
    # F.linear(one_hot, W) = one_hot @ W.T ; with one-hot rows this is a gather
    # of rows of W.T, i.e. columns of W, selected by idx.
    out = jnp.take(W.T, idx, axis=0)  # [N, 64]
    return out

if __name__ == "__main__":
    import jax
    _d = setup_inputs()
    print(jax.jit(kernel)(*tuple(_d.values())))

</pallas_src>

<mosaic_0001>
#map = affine_map<(d0, d1) -> (0, 0)>
#map1 = affine_map<(d0, d1) -> (0, 0, 0, 0)>
module attributes {stable_mosaic.version = 14 : i64} {
  func.func @body(%arg0: i32, %arg1: i32, %arg2: memref<64x1024xf32, #tpu.memory_space<hbm>>, %arg3: memref<200x128xi32, #tpu.memory_space<hbm>>, %arg4: memref<8x256x8x128xf32, #tpu.memory_space<hbm>>, %arg5: memref<2x1024xf32, #tpu.memory_space<vmem>>, %arg6: memref<200x128xi32, #tpu.memory_space<vmem>>, %arg7: memref<200x1x128xf32, #tpu.memory_space<vmem>>, %arg8: memref<200x1x128xf32, #tpu.memory_space<vmem>>, %arg9: memref<!tpu.dma_semaphore, #tpu.memory_space<semaphore_mem>>) attributes {dimension_semantics = [#tpu.dimension_semantics<core_parallel>, #tpu.dimension_semantics<subcore_parallel>], iteration_bounds = array<i64: 2, 16>, scalar_prefetch = 0 : i64, scratch_operands = 5 : i64, tpu.core_type = #tpu.core_type<sc_vector_subcore>, window_params = [{transform_indices = #map}, {transform_indices = #map}, {transform_indices = #map1}]} {
    %mul3A = arith.constant 2 : i32
    %mul3A_0 = arith.muli %arg1, %mul3A : i32
    %add3A = arith.addi %mul3A_0, %arg0 : i32
    %mul3A_1 = arith.constant 2 : i32
    %mul3A_2 = arith.muli %add3A, %mul3A_1 : i32
    "tpu.region"() ({
      %run_scoped3A = tpu.sem_alloc : memref<!tpu.dma_semaphore, #tpu.memory_space<semaphore_mem>>
      %dma_start3A = arith.constant 0 : i32
      %dma_start3A_43 = tpu.memref_slice %arg2[%mul3A_2, %dma_start3A] : memref<64x1024xf32, #tpu.memory_space<hbm>> -> memref<2x1024xf32, #tpu.memory_space<hbm>>
      %dma_start3A_44 = arith.constant 0 : i32
      %dma_start3A_45 = tpu.memref_slice %arg2[%mul3A_2, %dma_start3A_44] : memref<64x1024xf32, #tpu.memory_space<hbm>> -> memref<2x1024xf32, #tpu.memory_space<hbm>>
      tpu.enqueue_dma source(%dma_start3A_45 : memref<2x1024xf32, #tpu.memory_space<hbm>>) target(%arg5 : memref<2x1024xf32, #tpu.memory_space<vmem>>) target_semaphore(%run_scoped3A : memref<!tpu.dma_semaphore, #tpu.memory_space<semaphore_mem>>)
      %dma_wait3A = arith.constant 0 : i32
      %dma_wait3A_46 = tpu.memref_slice %arg2[%mul3A_2, %dma_wait3A] : memref<64x1024xf32, #tpu.memory_space<hbm>> -> memref<2x1024xf32, #tpu.memory_space<hbm>>
      %dma_wait3A_47 = arith.constant 0 : i32
      %dma_wait3A_48 = tpu.memref_slice %arg2[%mul3A_2, %dma_wait3A_47] : memref<64x1024xf32, #tpu.memory_space<hbm>> -> memref<2x1024xf32, #tpu.memory_space<hbm>>
      tpu.wait_dma2 semaphore(%run_scoped3A : memref<!tpu.dma_semaphore, #tpu.memory_space<semaphore_mem>>) src(%dma_wait3A_48 : memref<2x1024xf32, #tpu.memory_space<hbm>>) dst(%arg5 : memref<2x1024xf32, #tpu.memory_space<vmem>>)
      tpu.yield
    }) : () -> ()
    "tpu.region"() ({
      %run_scoped3A = tpu.sem_alloc : memref<!tpu.dma_semaphore, #tpu.memory_space<semaphore_mem>>
      tpu.enqueue_dma source(%arg3 : memref<200x128xi32, #tpu.memory_space<hbm>>) target(%arg6 : memref<200x128xi32, #tpu.memory_space<vmem>>) target_semaphore(%run_scoped3A : memref<!tpu.dma_semaphore, #tpu.memory_space<semaphore_mem>>)
      tpu.wait_dma2 semaphore(%run_scoped3A : memref<!tpu.dma_semaphore, #tpu.memory_space<semaphore_mem>>) src(%arg3 : memref<200x128xi32, #tpu.memory_space<hbm>>) dst(%arg6 : memref<200x128xi32, #tpu.memory_space<vmem>>)
      tpu.yield
    }) : () -> ()
    %broadcast_in_dim3A = arith.constant 0 : i32
    %broadcast_in_dim3A_3 = vector.broadcast %broadcast_in_dim3A : i32 to vector<16xi32>
    %add3A_4 = arith.constant 1 : i32
    %add3A_5 = vector.broadcast %add3A_4 : i32 to vector<16xi32>
    %add3A_6 = arith.addi %broadcast_in_dim3A_3, %add3A_5 : vector<16xi32>
    %parallel_loop3A = arith.constant 0 : i32
    %parallel_loop3A_7 = arith.constant 200 : i32
    %parallel_loop3A_8 = arith.constant 1 : i32
    scf.for %parallel_loop3A_43 = %parallel_loop3A to %parallel_loop3A_7 step %parallel_loop3A_8  : i32 {
      %parallel_loop3A_44 = arith.index_cast %parallel_loop3A_43 : i32 to index
      %parallel_loop3A_45 = arith.constant 0 : index
      %parallel_loop3A_46 = tpu.vector_load %arg6[%parallel_loop3A_44, %parallel_loop3A_45] {strides = array<i32>} : memref<200x128xi32, #tpu.memory_space<vmem>>, vector<16xi32>,
      %parallel_loop3A_47 = tpu.vector_load_idx %arg5[%broadcast_in_dim3A_3, %parallel_loop3A_46] : memref<2x1024xf32, #tpu.memory_space<vmem>>[vector<16xi32>, vector<16xi32>], vector<16xf32>,
      %parallel_loop3A_48 = tpu.vector_load_idx %arg5[%add3A_6, %parallel_loop3A_46] : memref<2x1024xf32, #tpu.memory_space<vmem>>[vector<16xi32>, vector<16xi32>], vector<16xf32>,
      %parallel_loop3A_49 = arith.constant 0 : i32
      %parallel_loop3A_50 = arith.index_cast %parallel_loop3A_43 : i32 to index
      %parallel_loop3A_51 = arith.index_cast %parallel_loop3A_49 : i32 to index
      %parallel_loop3A_52 = arith.constant 0 : index
      %parallel_loop3A_53 = tpu.vector_load %arg7[%parallel_loop3A_50, %parallel_loop3A_51, %parallel_loop3A_52] {strides = array<i32>} : memref<200x1x128xf32, #tpu.memory_space<vmem>>, vector<16xf32>,
      tpu.vector_store %arg7[%parallel_loop3A_50, %parallel_loop3A_51, %parallel_loop3A_52], %parallel_loop3A_47 {strides = array<i32>} : memref<200x1x128xf32, #tpu.memory_space<vmem>>, vector<16xf32>,
      %parallel_loop3A_54 = arith.constant 0 : i32
      %parallel_loop3A_55 = arith.index_cast %parallel_loop3A_43 : i32 to index
      %parallel_loop3A_56 = arith.index_cast %parallel_loop3A_54 : i32 to index
      %parallel_loop3A_57 = arith.constant 0 : index
      %parallel_loop3A_58 = tpu.vector_load %arg8[%parallel_loop3A_55, %parallel_loop3A_56, %parallel_loop3A_57] {strides = array<i32>} : memref<200x1x128xf32, #tpu.memory_space<vmem>>, vector<16xf32>,
      tpu.vector_store %arg8[%parallel_loop3A_55, %parallel_loop3A_56, %parallel_loop3A_57], %parallel_loop3A_48 {strides = array<i32>} : memref<200x1x128xf32, #tpu.memory_space<vmem>>, vector<16xf32>,
      %parallel_loop3A_59 = arith.index_cast %parallel_loop3A_43 : i32 to index
      %parallel_loop3A_60 = arith.constant 16 : index
      %parallel_loop3A_61 = tpu.vector_load %arg6[%parallel_loop3A_59, %parallel_loop3A_60] {strides = array<i32>} : memref<200x128xi32, #tpu.memory_space<vmem>>, vector<16xi32>,
      %parallel_loop3A_62 = tpu.vector_load_idx %arg5[%broadcast_in_dim3A_3, %parallel_loop3A_61] : memref<2x1024xf32, #tpu.memory_space<vmem>>[vector<16xi32>, vector<16xi32>], vector<16xf32>,
      %parallel_loop3A_63 = tpu.vector_load_idx %arg5[%add3A_6, %parallel_loop3A_61] : memref<2x1024xf32, #tpu.memory_space<vmem>>[vector<16xi32>, vector<16xi32>], vector<16xf32>,
      %parallel_loop3A_64 = arith.constant 0 : i32
      %parallel_loop3A_65 = arith.index_cast %parallel_loop3A_43 : i32 to index
      %parallel_loop3A_66 = arith.index_cast %parallel_loop3A_64 : i32 to index
      %parallel_loop3A_67 = arith.constant 16 : index
      %parallel_loop3A_68 = tpu.vector_load %arg7[%parallel_loop3A_65, %parallel_loop3A_66, %parallel_loop3A_67] {strides = array<i32>} : memref<200x1x128xf32, #tpu.memory_space<vmem>>, vector<16xf32>,
      tpu.vector_store %arg7[%parallel_loop3A_65, %parallel_loop3A_66, %parallel_loop3A_67], %parallel_loop3A_62 {strides = array<i32>} : memref<200x1x128xf32, #tpu.memory_space<vmem>>, vector<16xf32>,
      %parallel_loop3A_69 = arith.constant 0 : i32
      %parallel_loop3A_70 = arith.index_cast %parallel_loop3A_43 : i32 to index
      %parallel_loop3A_71 = arith.index_cast %parallel_loop3A_69 : i32 to index
      %parallel_loop3A_72 = arith.constant 16 : index
      %parallel_loop3A_73 = tpu.vector_load %arg8[%parallel_loop3A_70, %parallel_loop3A_71, %parallel_loop3A_72] {strides = array<i32>} : memref<200x1x128xf32, #tpu.memory_space<vmem>>, vector<16xf32>,
      tpu.vector_store %arg8[%parallel_loop3A_70, %parallel_loop3A_71, %parallel_loop3A_72], %parallel_loop3A_63 {strides = array<i32>} : memref<200x1x128xf32, #tpu.memory_space<vmem>>, vector<16xf32>,
      %parallel_loop3A_74 = arith.index_cast %parallel_loop3A_43 : i32 to index
      %parallel_loop3A_75 = arith.constant 32 : index
      %parallel_loop3A_76 = tpu.vector_load %arg6[%parallel_loop3A_74, %parallel_loop3A_75] {strides = array<i32>} : memref<200x128xi32, #tpu.memory_space<vmem>>, vector<16xi32>,
      %parallel_loop3A_77 = tpu.vector_load_idx %arg5[%broadcast_in_dim3A_3, %parallel_loop3A_76] : memref<2x1024xf32, #tpu.memory_space<vmem>>[vector<16xi32>, vector<16xi32>], vector<16xf32>,
      %parallel_loop3A_78 = tpu.vector_load_idx %arg5[%add3A_6, %parallel_loop3A_76] : memref<2x1024xf32, #tpu.memory_space<vmem>>[vector<16xi32>, vector<16xi32>], vector<16xf32>,
      %parallel_loop3A_79 = arith.constant 0 : i32
      %parallel_loop3A_80 = arith.index_cast %parallel_loop3A_43 : i32 to index
      %parallel_loop3A_81 = arith.index_cast %parallel_loop3A_79 : i32 to index
      %parallel_loop3A_82 = arith.constant 32 : index
      %parallel_loop3A_83 = tpu.vector_load %arg7[%parallel_loop3A_80, %parallel_loop3A_81, %parallel_loop3A_82] {strides = array<i32>} : memref<200x1x128xf32, #tpu.memory_space<vmem>>, vector<16xf32>,
      tpu.vector_store %arg7[%parallel_loop3A_80, %parallel_loop3A_81, %parallel_loop3A_82], %parallel_loop3A_77 {strides = array<i32>} : memref<200x1x128xf32, #tpu.memory_space<vmem>>, vector<16xf32>,
      %parallel_loop3A_84 = arith.constant 0 : i32
      %parallel_loop3A_85 = arith.index_cast %parallel_loop3A_43 : i32 to index
      %parallel_loop3A_86 = arith.index_cast %parallel_loop3A_84 : i32 to index
      %parallel_loop3A_87 = arith.constant 32 : index
      %parallel_loop3A_88 = tpu.vector_load %arg8[%parallel_loop3A_85, %parallel_loop3A_86, %parallel_loop3A_87] {strides = array<i32>} : memref<200x1x128xf32, #tpu.memory_space<vmem>>, vector<16xf32>,
      tpu.vector_store %arg8[%parallel_loop3A_85, %parallel_loop3A_86, %parallel_loop3A_87], %parallel_loop3A_78 {strides = array<i32>} : memref<200x1x128xf32, #tpu.memory_space<vmem>>, vector<16xf32>,
      %parallel_loop3A_89 = arith.index_cast %parallel_loop3A_43 : i32 to index
      %parallel_loop3A_90 = arith.constant 48 : index
      %parallel_loop3A_91 = tpu.vector_load %arg6[%parallel_loop3A_89, %parallel_loop3A_90] {strides = array<i32>} : memref<200x128xi32, #tpu.memory_space<vmem>>, vector<16xi32>,
      %parallel_loop3A_92 = tpu.vector_load_idx %arg5[%broadcast_in_dim3A_3, %parallel_loop3A_91] : memref<2x1024xf32, #tpu.memory_space<vmem>>[vector<16xi32>, vector<16xi32>], vector<16xf32>,
      %parallel_loop3A_93 = tpu.vector_load_idx %arg5[%add3A_6, %parallel_loop3A_91] : memref<2x1024xf32, #tpu.memory_space<vmem>>[vector<16xi32>, vector<16xi32>], vector<16xf32>,
      %parallel_loop3A_94 = arith.constant 0 : i32
      %parallel_loop3A_95 = arith.index_cast %parallel_loop3A_43 : i32 to index
      %parallel_loop3A_96 = arith.index_cast %parallel_loop3A_94 : i32 to index
      %parallel_loop3A_97 = arith.constant 48 : index
      %parallel_loop3A_98 = tpu.vector_load %arg7[%parallel_loop3A_95, %parallel_loop3A_96, %parallel_loop3A_97] {strides = array<i32>} : memref<200x1x128xf32, #tpu.memory_space<vmem>>, vector<16xf32>,
      tpu.vector_store %arg7[%parallel_loop3A_95, %parallel_loop3A_96, %parallel_loop3A_97], %parallel_loop3A_92 {strides = array<i32>} : memref<200x1x128xf32, #tpu.memory_space<vmem>>, vector<16xf32>,
      %parallel_loop3A_99 = arith.constant 0 : i32
      %parallel_loop3A_100 = arith.index_cast %parallel_loop3A_43 : i32 to index
      %parallel_loop3A_101 = arith.index_cast %parallel_loop3A_99 : i32 to index
      %parallel_loop3A_102 = arith.constant 48 : index
      %parallel_loop3A_103 = tpu.vector_load %arg8[%parallel_loop3A_100, %parallel_loop3A_101, %parallel_loop3A_102] {strides = array<i32>} : memref<200x1x128xf32, #tpu.memory_space<vmem>>, vector<16xf32>,
      tpu.vector_store %arg8[%parallel_loop3A_100, %parallel_loop3A_101, %parallel_loop3A_102], %parallel_loop3A_93 {strides = array<i32>} : memref<200x1x128xf32, #tpu.memory_space<vmem>>, vector<16xf32>,
      %parallel_loop3A_104 = arith.index_cast %parallel_loop3A_43 : i32 to index
      %parallel_loop3A_105 = arith.constant 64 : index
      %parallel_loop3A_106 = tpu.vector_load %arg6[%parallel_loop3A_104, %parallel_loop3A_105] {strides = array<i32>} : memref<200x128xi32, #tpu.memory_space<vmem>>, vector<16xi32>,
      %parallel_loop3A_107 = tpu.vector_load_idx %arg5[%broadcast_in_dim3A_3, %parallel_loop3A_106] : memref<2x1024xf32, #tpu.memory_space<vmem>>[vector<16xi32>, vector<16xi32>], vector<16xf32>,
      %parallel_loop3A_108 = tpu.vector_load_idx %arg5[%add3A_6, %parallel_loop3A_106] : memref<2x1024xf32, #tpu.memory_space<vmem>>[vector<16xi32>, vector<16xi32>], vector<16xf32>,
      %parallel_loop3A_109 = arith.constant 0 : i32
      %parallel_loop3A_110 = arith.index_cast %parallel_loop3A_43 : i32 to index
      %parallel_loop3A_111 = arith.index_cast %parallel_loop3A_109 : i32 to index
      %parallel_loop3A_112 = arith.constant 64 : index
      %parallel_loop3A_113 = tpu.vector_load %arg7[%parallel_loop3A_110, %parallel_loop3A_111, %parallel_loop3A_112] {strides = array<i32>} : memref<200x1x128xf32, #tpu.memory_space<vmem>>, vector<16xf32>,
      tpu.vector_store %arg7[%parallel_loop3A_110, %parallel_loop3A_111, %parallel_loop3A_112], %parallel_loop3A_107 {strides = array<i32>} : memref<200x1x128xf32, #tpu.memory_space<vmem>>, vector<16xf32>,
      %parallel_loop3A_114 = arith.constant 0 : i32
      %parallel_loop3A_115 = arith.index_cast %parallel_loop3A_43 : i32 to index
      %parallel_loop3A_116 = arith.index_cast %parallel_loop3A_114 : i32 to index
      %parallel_loop3A_117 = arith.constant 64 : index
      %parallel_loop3A_118 = tpu.vector_load %arg8[%parallel_loop3A_115, %parallel_loop3A_116, %parallel_loop3A_117] {strides = array<i32>} : memref<200x1x128xf32, #tpu.memory_space<vmem>>, vector<16xf32>,
      tpu.vector_store %arg8[%parallel_loop3A_115, %parallel_loop3A_116, %parallel_loop3A_117], %parallel_loop3A_108 {strides = array<i32>} : memref<200x1x128xf32, #tpu.memory_space<vmem>>, vector<16xf32>,
      %parallel_loop3A_119 = arith.index_cast %parallel_loop3A_43 : i32 to index
      %parallel_loop3A_120 = arith.constant 80 : index
      %parallel_loop3A_121 = tpu.vector_load %arg6[%parallel_loop3A_119, %parallel_loop3A_120] {strides = array<i32>} : memref<200x128xi32, #tpu.memory_space<vmem>>, vector<16xi32>,
      %parallel_loop3A_122 = tpu.vector_load_idx %arg5[%broadcast_in_dim3A_3, %parallel_loop3A_121] : memref<2x1024xf32, #tpu.memory_space<vmem>>[vector<16xi32>, vector<16xi32>], vector<16xf32>,
      %parallel_loop3A_123 = tpu.vector_load_idx %arg5[%add3A_6, %parallel_loop3A_121] : memref<2x1024xf32, #tpu.memory_space<vmem>>[vector<16xi32>, vector<16xi32>], vector<16xf32>,
      %parallel_loop3A_124 = arith.constant 0 : i32
      %parallel_loop3A_125 = arith.index_cast %parallel_loop3A_43 : i32 to index
      %parallel_loop3A_126 = arith.index_cast %parallel_loop3A_124 : i32 to index
      %parallel_loop3A_127 = arith.constant 80 : index
      %parallel_loop3A_128 = tpu.vector_load %arg7[%parallel_loop3A_125, %parallel_loop3A_126, %parallel_loop3A_127] {strides = array<i32>} : memref<200x1x128xf32, #tpu.memory_space<vmem>>, vector<16xf32>,
      tpu.vector_store %arg7[%parallel_loop3A_125, %parallel_loop3A_126, %parallel_loop3A_127], %parallel_loop3A_122 {strides = array<i32>} : memref<200x1x128xf32, #tpu.memory_space<vmem>>, vector<16xf32>,
      %parallel_loop3A_129 = arith.constant 0 : i32
      %parallel_loop3A_130 = arith.index_cast %parallel_loop3A_43 : i32 to index
      %parallel_loop3A_131 = arith.index_cast %parallel_loop3A_129 : i32 to index
      %parallel_loop3A_132 = arith.constant 80 : index
      %parallel_loop3A_133 = tpu.vector_load %arg8[%parallel_loop3A_130, %parallel_loop3A_131, %parallel_loop3A_132] {strides = array<i32>} : memref<200x1x128xf32, #tpu.memory_space<vmem>>, vector<16xf32>,
      tpu.vector_store %arg8[%parallel_loop3A_130, %parallel_loop3A_131, %parallel_loop3A_132], %parallel_loop3A_123 {strides = array<i32>} : memref<200x1x128xf32, #tpu.memory_space<vmem>>, vector<16xf32>,
      %parallel_loop3A_134 = arith.index_cast %parallel_loop3A_43 : i32 to index
      %parallel_loop3A_135 = arith.constant 96 : index
      %parallel_loop3A_136 = tpu.vector_load %arg6[%parallel_loop3A_134, %parallel_loop3A_135] {strides = array<i32>} : memref<200x128xi32, #tpu.memory_space<vmem>>, vector<16xi32>,
      %parallel_loop3A_137 = tpu.vector_load_idx %arg5[%broadcast_in_dim3A_3, %parallel_loop3A_136] : memref<2x1024xf32, #tpu.memory_space<vmem>>[vector<16xi32>, vector<16xi32>], vector<16xf32>,
      %parallel_loop3A_138 = tpu.vector_load_idx %arg5[%add3A_6, %parallel_loop3A_136] : memref<2x1024xf32, #tpu.memory_space<vmem>>[vector<16xi32>, vector<16xi32>], vector<16xf32>,
      %parallel_loop3A_139 = arith.constant 0 : i32
      %parallel_loop3A_140 = arith.index_cast %parallel_loop3A_43 : i32 to index
      %parallel_loop3A_141 = arith.index_cast %parallel_loop3A_139 : i32 to index
      %parallel_loop3A_142 = arith.constant 96 : index
      %parallel_loop3A_143 = tpu.vector_load %arg7[%parallel_loop3A_140, %parallel_loop3A_141, %parallel_loop3A_142] {strides = array<i32>} : memref<200x1x128xf32, #tpu.memory_space<vmem>>, vector<16xf32>,
      tpu.vector_store %arg7[%parallel_loop3A_140, %parallel_loop3A_141, %parallel_loop3A_142], %parallel_loop3A_137 {strides = array<i32>} : memref<200x1x128xf32, #tpu.memory_space<vmem>>, vector<16xf32>,
      %parallel_loop3A_144 = arith.constant 0 : i32
      %parallel_loop3A_145 = arith.index_cast %parallel_loop3A_43 : i32 to index
      %parallel_loop3A_146 = arith.index_cast %parallel_loop3A_144 : i32 to index
      %parallel_loop3A_147 = arith.constant 96 : index
      %parallel_loop3A_148 = tpu.vector_load %arg8[%parallel_loop3A_145, %parallel_loop3A_146, %parallel_loop3A_147] {strides = array<i32>} : memref<200x1x128xf32, #tpu.memory_space<vmem>>, vector<16xf32>,
      tpu.vector_store %arg8[%parallel_loop3A_145, %parallel_loop3A_146, %parallel_loop3A_147], %parallel_loop3A_138 {strides = array<i32>} : memref<200x1x128xf32, #tpu.memory_space<vmem>>, vector<16xf32>,
      %parallel_loop3A_149 = arith.index_cast %parallel_loop3A_43 : i32 to index
      %parallel_loop3A_150 = arith.constant 112 : index
      %parallel_loop3A_151 = tpu.vector_load %arg6[%parallel_loop3A_149, %parallel_loop3A_150] {strides = array<i32>} : memref<200x128xi32, #tpu.memory_space<vmem>>, vector<16xi32>,
      %parallel_loop3A_152 = tpu.vector_load_idx %arg5[%broadcast_in_dim3A_3, %parallel_loop3A_151] : memref<2x1024xf32, #tpu.memory_space<vmem>>[vector<16xi32>, vector<16xi32>], vector<16xf32>,
      %parallel_loop3A_153 = tpu.vector_load_idx %arg5[%add3A_6, %parallel_loop3A_151] : memref<2x1024xf32, #tpu.memory_space<vmem>>[vector<16xi32>, vector<16xi32>], vector<16xf32>,
      %parallel_loop3A_154 = arith.constant 0 : i32
      %parallel_loop3A_155 = arith.index_cast %parallel_loop3A_43 : i32 to index
      %parallel_loop3A_156 = arith.index_cast %parallel_loop3A_154 : i32 to index
      %parallel_loop3A_157 = arith.constant 112 : index
      %parallel_loop3A_158 = tpu.vector_load %arg7[%parallel_loop3A_155, %parallel_loop3A_156, %parallel_loop3A_157] {strides = array<i32>} : memref<200x1x128xf32, #tpu.memory_space<vmem>>, vector<16xf32>,
      tpu.vector_store %arg7[%parallel_loop3A_155, %parallel_loop3A_156, %parallel_loop3A_157], %parallel_loop3A_152 {strides = array<i32>} : memref<200x1x128xf32, #tpu.memory_space<vmem>>, vector<16xf32>,
      %parallel_loop3A_159 = arith.constant 0 : i32
      %parallel_loop3A_160 = arith.index_cast %parallel_loop3A_43 : i32 to index
      %parallel_loop3A_161 = arith.index_cast %parallel_loop3A_159 : i32 to index
      %parallel_loop3A_162 = arith.constant 112 : index
      %parallel_loop3A_163 = tpu.vector_load %arg8[%parallel_loop3A_160, %parallel_loop3A_161, %parallel_loop3A_162] {strides = array<i32>} : memref<200x1x128xf32, #tpu.memory_space<vmem>>, vector<16xf32>,
      tpu.vector_store %arg8[%parallel_loop3A_160, %parallel_loop3A_161, %parallel_loop3A_162], %parallel_loop3A_153 {strides = array<i32>} : memref<200x1x128xf32, #tpu.memory_space<vmem>>, vector<16xf32>,
    } {sc.loop_unroll_factor = 8 : i64, sc.parallel_access}
    %jit3A = arith.constant 4 : i32
    %div3A = arith.divsi %add3A, %jit3A : i32
    %sign3A = arith.constant 0 : i32
    %sign3A_9 = arith.cmpi sgt, %add3A, %sign3A : i32
    %sign3A_10 = arith.extui %sign3A_9 : i1 to i32
    %sign3A_11 = arith.constant 0 : i32
    %sign3A_12 = arith.cmpi slt, %add3A, %sign3A_11 : i32
    %sign3A_13 = arith.extui %sign3A_12 : i1 to i32
    %sign3A_14 = arith.subi %sign3A_10, %sign3A_13 : i32
    %sign3A_15 = arith.constant 0 : i32
    %sign3A_16 = arith.cmpi sgt, %jit3A, %sign3A_15 : i32
    %sign3A_17 = arith.extui %sign3A_16 : i1 to i32
    %sign3A_18 = arith.constant 0 : i32
    %sign3A_19 = arith.cmpi slt, %jit3A, %sign3A_18 : i32
    %sign3A_20 = arith.extui %sign3A_19 : i1 to i32
    %sign3A_21 = arith.subi %sign3A_17, %sign3A_20 : i32
    %ne3A = arith.cmpi ne, %sign3A_14, %sign3A_21 : i32
    %rem3A = arith.remsi %add3A, %jit3A : i32
    %ne3A_22 = arith.constant 0 : i32
    %ne3A_23 = arith.cmpi ne, %rem3A, %ne3A_22 : i32
    %and3A = arith.andi %ne3A, %ne3A_23 : i1
    %sub3A = arith.constant 1 : i32
    %sub3A_24 = arith.subi %div3A, %sub3A : i32
    %select_n3A = arith.select %and3A, %sub3A_24, %div3A : i32
    %jit3A_25 = arith.constant 4 : i32
    %eq3A = arith.constant 0 : i32
    %eq3A_26 = arith.cmpi eq, %jit3A_25, %eq3A : i32
    %jit3A_27 = arith.constant 1 : i32
    %select_n3A_28 = arith.select %eq3A_26, %jit3A_27, %jit3A_25 : i32
    %rem3A_29 = arith.remsi %add3A, %select_n3A_28 : i32
    %ne3A_30 = arith.constant 0 : i32
    %ne3A_31 = arith.cmpi ne, %rem3A_29, %ne3A_30 : i32
    %lt3A = arith.constant 0 : i32
    %lt3A_32 = arith.cmpi slt, %rem3A_29, %lt3A : i32
    %lt3A_33 = arith.constant 0 : i32
    %lt3A_34 = arith.cmpi slt, %select_n3A_28, %lt3A_33 : i32
    %ne3A_35 = arith.xori %lt3A_32, %lt3A_34 : i1
    %and3A_36 = arith.andi %ne3A_35, %ne3A_31 : i1
    %add3A_37 = arith.addi %rem3A_29, %select_n3A_28 : i32
    %select_n3A_38 = arith.select %and3A_36, %add3A_37, %rem3A_29 : i32
    %mul3A_39 = arith.constant 2 : i32
    %mul3A_40 = arith.muli %select_n3A_38, %mul3A_39 : i32
    "tpu.region"() ({
      %run_scoped3A = tpu.sem_alloc : memref<!tpu.dma_semaphore, #tpu.memory_space<semaphore_mem>>
      %dma_start3A = arith.constant 0 : i32
      %dma_start3A_43 = arith.constant 0 : i32
      %dma_start3A_44 = tpu.memref_slice %arg4[%select_n3A, %dma_start3A, %mul3A_40, %dma_start3A_43] : memref<8x256x8x128xf32, #tpu.memory_space<hbm>> -> memref<1x200x1x128xf32, #tpu.memory_space<hbm>>
      %dma_start3A_45 = tpu.memref_squeeze %dma_start3A_44 : memref<1x200x1x128xf32, #tpu.memory_space<hbm>> -> memref<200x1x128xf32, #tpu.memory_space<hbm>>
      %dma_start3A_46 = arith.constant 0 : i32
      %dma_start3A_47 = arith.constant 0 : i32
      %dma_start3A_48 = tpu.memref_slice %arg4[%select_n3A, %dma_start3A_46, %mul3A_40, %dma_start3A_47] : memref<8x256x8x128xf32, #tpu.memory_space<hbm>> -> memref<1x200x1x128xf32, #tpu.memory_space<hbm>>
      %dma_start3A_49 = tpu.memref_squeeze %dma_start3A_48 : memref<1x200x1x128xf32, #tpu.memory_space<hbm>> -> memref<200x1x128xf32, #tpu.memory_space<hbm>>
      tpu.enqueue_dma source(%arg7 : memref<200x1x128xf32, #tpu.memory_space<vmem>>) target(%dma_start3A_49 : memref<200x1x128xf32, #tpu.memory_space<hbm>>) target_semaphore(%run_scoped3A : memref<!tpu.dma_semaphore, #tpu.memory_space<semaphore_mem>>)
      %dma_wait3A = arith.constant 0 : i32
      %dma_wait3A_50 = arith.constant 0 : i32
      %dma_wait3A_51 = tpu.memref_slice %arg4[%select_n3A, %dma_wait3A, %mul3A_40, %dma_wait3A_50] : memref<8x256x8x128xf32, #tpu.memory_space<hbm>> -> memref<1x200x1x128xf32, #tpu.memory_space<hbm>>
      %dma_wait3A_52 = tpu.memref_squeeze %dma_wait3A_51 : memref<1x200x1x128xf32, #tpu.memory_space<hbm>> -> memref<200x1x128xf32, #tpu.memory_space<hbm>>
      %dma_wait3A_53 = arith.constant 0 : i32
      %dma_wait3A_54 = arith.constant 0 : i32
      %dma_wait3A_55 = tpu.memref_slice %arg4[%select_n3A, %dma_wait3A_53, %mul3A_40, %dma_wait3A_54] : memref<8x256x8x128xf32, #tpu.memory_space<hbm>> -> memref<1x200x1x128xf32, #tpu.memory_space<hbm>>
      %dma_wait3A_56 = tpu.memref_squeeze %dma_wait3A_55 : memref<1x200x1x128xf32, #tpu.memory_space<hbm>> -> memref<200x1x128xf32, #tpu.memory_space<hbm>>
      tpu.wait_dma2 semaphore(%run_scoped3A : memref<!tpu.dma_semaphore, #tpu.memory_space<semaphore_mem>>) src(%arg7 : memref<200x1x128xf32, #tpu.memory_space<vmem>>) dst(%dma_wait3A_56 : memref<200x1x128xf32, #tpu.memory_space<hbm>>)
      tpu.yield
    }) : () -> ()
    %add3A_41 = arith.constant 1 : i32
    %add3A_42 = arith.addi %mul3A_40, %add3A_41 : i32
    "tpu.region"() ({
      %run_scoped3A = tpu.sem_alloc : memref<!tpu.dma_semaphore, #tpu.memory_space<semaphore_mem>>
      %dma_start3A = arith.constant 0 : i32
      %dma_start3A_43 = arith.constant 0 : i32
      %dma_start3A_44 = tpu.memref_slice %arg4[%select_n3A, %dma_start3A, %add3A_42, %dma_start3A_43] : memref<8x256x8x128xf32, #tpu.memory_space<hbm>> -> memref<1x200x1x128xf32, #tpu.memory_space<hbm>>
      %dma_start3A_45 = tpu.memref_squeeze %dma_start3A_44 : memref<1x200x1x128xf32, #tpu.memory_space<hbm>> -> memref<200x1x128xf32, #tpu.memory_space<hbm>>
      %dma_start3A_46 = arith.constant 0 : i32
      %dma_start3A_47 = arith.constant 0 : i32
      %dma_start3A_48 = tpu.memref_slice %arg4[%select_n3A, %dma_start3A_46, %add3A_42, %dma_start3A_47] : memref<8x256x8x128xf32, #tpu.memory_space<hbm>> -> memref<1x200x1x128xf32, #tpu.memory_space<hbm>>
      %dma_start3A_49 = tpu.memref_squeeze %dma_start3A_48 : memref<1x200x1x128xf32, #tpu.memory_space<hbm>> -> memref<200x1x128xf32, #tpu.memory_space<hbm>>
      tpu.enqueue_dma source(%arg8 : memref<200x1x128xf32, #tpu.memory_space<vmem>>) target(%dma_start3A_49 : memref<200x1x128xf32, #tpu.memory_space<hbm>>) target_semaphore(%run_scoped3A : memref<!tpu.dma_semaphore, #tpu.memory_space<semaphore_mem>>)
      %dma_wait3A = arith.constant 0 : i32
      %dma_wait3A_50 = arith.constant 0 : i32
      %dma_wait3A_51 = tpu.memref_slice %arg4[%select_n3A, %dma_wait3A, %add3A_42, %dma_wait3A_50] : memref<8x256x8x128xf32, #tpu.memory_space<hbm>> -> memref<1x200x1x128xf32, #tpu.memory_space<hbm>>
      %dma_wait3A_52 = tpu.memref_squeeze %dma_wait3A_51 : memref<1x200x1x128xf32, #tpu.memory_space<hbm>> -> memref<200x1x128xf32, #tpu.memory_space<hbm>>
      %dma_wait3A_53 = arith.constant 0 : i32
      %dma_wait3A_54 = arith.constant 0 : i32
      %dma_wait3A_55 = tpu.memref_slice %arg4[%select_n3A, %dma_wait3A_53, %add3A_42, %dma_wait3A_54] : memref<8x256x8x128xf32, #tpu.memory_space<hbm>> -> memref<1x200x1x128xf32, #tpu.memory_space<hbm>>
      %dma_wait3A_56 = tpu.memref_squeeze %dma_wait3A_55 : memref<1x200x1x128xf32, #tpu.memory_space<hbm>> -> memref<200x1x128xf32, #tpu.memory_space<hbm>>
      tpu.wait_dma2 semaphore(%run_scoped3A : memref<!tpu.dma_semaphore, #tpu.memory_space<semaphore_mem>>) src(%arg8 : memref<200x1x128xf32, #tpu.memory_space<vmem>>) dst(%dma_wait3A_56 : memref<200x1x128xf32, #tpu.memory_space<hbm>>)
      tpu.yield
    }) : () -> ()
    return
  }
}

#map = affine_map<(d0, d1) -> (0, 0)>
#map1 = affine_map<(d0, d1) -> (0, 0, 0, 0)>
module attributes {stable_mosaic.version = 14 : i64} {
  func.func @new_body(%arg0: i32, %arg1: i32, %arg2: memref<64x1024xf32, #tpu.memory_space<hbm>>, %arg3: memref<56x128xi32, #tpu.memory_space<hbm>>, %arg4: memref<8x256x8x128xf32, #tpu.memory_space<hbm>>, %arg5: memref<8x256x8x128xf32, #tpu.memory_space<hbm>>, %arg6: memref<2x1024xf32, #tpu.memory_space<vmem>>, %arg7: memref<56x128xi32, #tpu.memory_space<vmem>>, %arg8: memref<56x1x128xf32, #tpu.memory_space<vmem>>, %arg9: memref<56x1x128xf32, #tpu.memory_space<vmem>>, %arg10: memref<!tpu.dma_semaphore, #tpu.memory_space<semaphore_mem>>) attributes {dimension_semantics = [#tpu.dimension_semantics<core_parallel>, #tpu.dimension_semantics<subcore_parallel>], iteration_bounds = array<i64: 2, 16>, scalar_prefetch = 0 : i64, scratch_operands = 5 : i64, tpu.core_type = #tpu.core_type<sc_vector_subcore>, window_params = [{transform_indices = #map}, {transform_indices = #map}, {transform_indices = #map1}, {transform_indices = #map1}]} {
    %mul3A = arith.constant 2 : i32
    %mul3A_0 = arith.muli %arg1, %mul3A : i32
    %add3A = arith.addi %mul3A_0, %arg0 : i32
    %mul3A_1 = arith.constant 2 : i32
    %mul3A_2 = arith.muli %add3A, %mul3A_1 : i32
    "tpu.region"() ({
      %run_scoped3A = tpu.sem_alloc : memref<!tpu.dma_semaphore, #tpu.memory_space<semaphore_mem>>
      %dma_start3A = arith.constant 0 : i32
      %dma_start3A_43 = tpu.memref_slice %arg2[%mul3A_2, %dma_start3A] : memref<64x1024xf32, #tpu.memory_space<hbm>> -> memref<2x1024xf32, #tpu.memory_space<hbm>>
      %dma_start3A_44 = arith.constant 0 : i32
      %dma_start3A_45 = tpu.memref_slice %arg2[%mul3A_2, %dma_start3A_44] : memref<64x1024xf32, #tpu.memory_space<hbm>> -> memref<2x1024xf32, #tpu.memory_space<hbm>>
      tpu.enqueue_dma source(%dma_start3A_45 : memref<2x1024xf32, #tpu.memory_space<hbm>>) target(%arg6 : memref<2x1024xf32, #tpu.memory_space<vmem>>) target_semaphore(%run_scoped3A : memref<!tpu.dma_semaphore, #tpu.memory_space<semaphore_mem>>)
      %dma_wait3A = arith.constant 0 : i32
      %dma_wait3A_46 = tpu.memref_slice %arg2[%mul3A_2, %dma_wait3A] : memref<64x1024xf32, #tpu.memory_space<hbm>> -> memref<2x1024xf32, #tpu.memory_space<hbm>>
      %dma_wait3A_47 = arith.constant 0 : i32
      %dma_wait3A_48 = tpu.memref_slice %arg2[%mul3A_2, %dma_wait3A_47] : memref<64x1024xf32, #tpu.memory_space<hbm>> -> memref<2x1024xf32, #tpu.memory_space<hbm>>
      tpu.wait_dma2 semaphore(%run_scoped3A : memref<!tpu.dma_semaphore, #tpu.memory_space<semaphore_mem>>) src(%dma_wait3A_48 : memref<2x1024xf32, #tpu.memory_space<hbm>>) dst(%arg6 : memref<2x1024xf32, #tpu.memory_space<vmem>>)
      tpu.yield
    }) : () -> ()
    "tpu.region"() ({
      %run_scoped3A = tpu.sem_alloc : memref<!tpu.dma_semaphore, #tpu.memory_space<semaphore_mem>>
      tpu.enqueue_dma source(%arg3 : memref<56x128xi32, #tpu.memory_space<hbm>>) target(%arg7 : memref<56x128xi32, #tpu.memory_space<vmem>>) target_semaphore(%run_scoped3A : memref<!tpu.dma_semaphore, #tpu.memory_space<semaphore_mem>>)
      tpu.wait_dma2 semaphore(%run_scoped3A : memref<!tpu.dma_semaphore, #tpu.memory_space<semaphore_mem>>) src(%arg3 : memref<56x128xi32, #tpu.memory_space<hbm>>) dst(%arg7 : memref<56x128xi32, #tpu.memory_space<vmem>>)
      tpu.yield
    }) : () -> ()
    %broadcast_in_dim3A = arith.constant 0 : i32
    %broadcast_in_dim3A_3 = vector.broadcast %broadcast_in_dim3A : i32 to vector<16xi32>
    %add3A_4 = arith.constant 1 : i32
    %add3A_5 = vector.broadcast %add3A_4 : i32 to vector<16xi32>
    %add3A_6 = arith.addi %broadcast_in_dim3A_3, %add3A_5 : vector<16xi32>
    %parallel_loop3A = arith.constant 0 : i32
    %parallel_loop3A_7 = arith.constant 56 : i32
    %parallel_loop3A_8 = arith.constant 1 : i32
    scf.for %parallel_loop3A_43 = %parallel_loop3A to %parallel_loop3A_7 step %parallel_loop3A_8  : i32 {
      %parallel_loop3A_44 = arith.index_cast %parallel_loop3A_43 : i32 to index
      %parallel_loop3A_45 = arith.constant 0 : index
      %parallel_loop3A_46 = tpu.vector_load %arg7[%parallel_loop3A_44, %parallel_loop3A_45] {strides = array<i32>} : memref<56x128xi32, #tpu.memory_space<vmem>>, vector<16xi32>,
      %parallel_loop3A_47 = tpu.vector_load_idx %arg6[%broadcast_in_dim3A_3, %parallel_loop3A_46] : memref<2x1024xf32, #tpu.memory_space<vmem>>[vector<16xi32>, vector<16xi32>], vector<16xf32>,
      %parallel_loop3A_48 = tpu.vector_load_idx %arg6[%add3A_6, %parallel_loop3A_46] : memref<2x1024xf32, #tpu.memory_space<vmem>>[vector<16xi32>, vector<16xi32>], vector<16xf32>,
      %parallel_loop3A_49 = arith.constant 0 : i32
      %parallel_loop3A_50 = arith.index_cast %parallel_loop3A_43 : i32 to index
      %parallel_loop3A_51 = arith.index_cast %parallel_loop3A_49 : i32 to index
      %parallel_loop3A_52 = arith.constant 0 : index
      %parallel_loop3A_53 = tpu.vector_load %arg8[%parallel_loop3A_50, %parallel_loop3A_51, %parallel_loop3A_52] {strides = array<i32>} : memref<56x1x128xf32, #tpu.memory_space<vmem>>, vector<16xf32>,
      tpu.vector_store %arg8[%parallel_loop3A_50, %parallel_loop3A_51, %parallel_loop3A_52], %parallel_loop3A_47 {strides = array<i32>} : memref<56x1x128xf32, #tpu.memory_space<vmem>>, vector<16xf32>,
      %parallel_loop3A_54 = arith.constant 0 : i32
      %parallel_loop3A_55 = arith.index_cast %parallel_loop3A_43 : i32 to index
      %parallel_loop3A_56 = arith.index_cast %parallel_loop3A_54 : i32 to index
      %parallel_loop3A_57 = arith.constant 0 : index
      %parallel_loop3A_58 = tpu.vector_load %arg9[%parallel_loop3A_55, %parallel_loop3A_56, %parallel_loop3A_57] {strides = array<i32>} : memref<56x1x128xf32, #tpu.memory_space<vmem>>, vector<16xf32>,
      tpu.vector_store %arg9[%parallel_loop3A_55, %parallel_loop3A_56, %parallel_loop3A_57], %parallel_loop3A_48 {strides = array<i32>} : memref<56x1x128xf32, #tpu.memory_space<vmem>>, vector<16xf32>,
      %parallel_loop3A_59 = arith.index_cast %parallel_loop3A_43 : i32 to index
      %parallel_loop3A_60 = arith.constant 16 : index
      %parallel_loop3A_61 = tpu.vector_load %arg7[%parallel_loop3A_59, %parallel_loop3A_60] {strides = array<i32>} : memref<56x128xi32, #tpu.memory_space<vmem>>, vector<16xi32>,
      %parallel_loop3A_62 = tpu.vector_load_idx %arg6[%broadcast_in_dim3A_3, %parallel_loop3A_61] : memref<2x1024xf32, #tpu.memory_space<vmem>>[vector<16xi32>, vector<16xi32>], vector<16xf32>,
      %parallel_loop3A_63 = tpu.vector_load_idx %arg6[%add3A_6, %parallel_loop3A_61] : memref<2x1024xf32, #tpu.memory_space<vmem>>[vector<16xi32>, vector<16xi32>], vector<16xf32>,
      %parallel_loop3A_64 = arith.constant 0 : i32
      %parallel_loop3A_65 = arith.index_cast %parallel_loop3A_43 : i32 to index
      %parallel_loop3A_66 = arith.index_cast %parallel_loop3A_64 : i32 to index
      %parallel_loop3A_67 = arith.constant 16 : index
      %parallel_loop3A_68 = tpu.vector_load %arg8[%parallel_loop3A_65, %parallel_loop3A_66, %parallel_loop3A_67] {strides = array<i32>} : memref<56x1x128xf32, #tpu.memory_space<vmem>>, vector<16xf32>,
      tpu.vector_store %arg8[%parallel_loop3A_65, %parallel_loop3A_66, %parallel_loop3A_67], %parallel_loop3A_62 {strides = array<i32>} : memref<56x1x128xf32, #tpu.memory_space<vmem>>, vector<16xf32>,
      %parallel_loop3A_69 = arith.constant 0 : i32
      %parallel_loop3A_70 = arith.index_cast %parallel_loop3A_43 : i32 to index
      %parallel_loop3A_71 = arith.index_cast %parallel_loop3A_69 : i32 to index
      %parallel_loop3A_72 = arith.constant 16 : index
      %parallel_loop3A_73 = tpu.vector_load %arg9[%parallel_loop3A_70, %parallel_loop3A_71, %parallel_loop3A_72] {strides = array<i32>} : memref<56x1x128xf32, #tpu.memory_space<vmem>>, vector<16xf32>,
      tpu.vector_store %arg9[%parallel_loop3A_70, %parallel_loop3A_71, %parallel_loop3A_72], %parallel_loop3A_63 {strides = array<i32>} : memref<56x1x128xf32, #tpu.memory_space<vmem>>, vector<16xf32>,
      %parallel_loop3A_74 = arith.index_cast %parallel_loop3A_43 : i32 to index
      %parallel_loop3A_75 = arith.constant 32 : index
      %parallel_loop3A_76 = tpu.vector_load %arg7[%parallel_loop3A_74, %parallel_loop3A_75] {strides = array<i32>} : memref<56x128xi32, #tpu.memory_space<vmem>>, vector<16xi32>,
      %parallel_loop3A_77 = tpu.vector_load_idx %arg6[%broadcast_in_dim3A_3, %parallel_loop3A_76] : memref<2x1024xf32, #tpu.memory_space<vmem>>[vector<16xi32>, vector<16xi32>], vector<16xf32>,
      %parallel_loop3A_78 = tpu.vector_load_idx %arg6[%add3A_6, %parallel_loop3A_76] : memref<2x1024xf32, #tpu.memory_space<vmem>>[vector<16xi32>, vector<16xi32>], vector<16xf32>,
      %parallel_loop3A_79 = arith.constant 0 : i32
      %parallel_loop3A_80 = arith.index_cast %parallel_loop3A_43 : i32 to index
      %parallel_loop3A_81 = arith.index_cast %parallel_loop3A_79 : i32 to index
      %parallel_loop3A_82 = arith.constant 32 : index
      %parallel_loop3A_83 = tpu.vector_load %arg8[%parallel_loop3A_80, %parallel_loop3A_81, %parallel_loop3A_82] {strides = array<i32>} : memref<56x1x128xf32, #tpu.memory_space<vmem>>, vector<16xf32>,
      tpu.vector_store %arg8[%parallel_loop3A_80, %parallel_loop3A_81, %parallel_loop3A_82], %parallel_loop3A_77 {strides = array<i32>} : memref<56x1x128xf32, #tpu.memory_space<vmem>>, vector<16xf32>,
      %parallel_loop3A_84 = arith.constant 0 : i32
      %parallel_loop3A_85 = arith.index_cast %parallel_loop3A_43 : i32 to index
      %parallel_loop3A_86 = arith.index_cast %parallel_loop3A_84 : i32 to index
      %parallel_loop3A_87 = arith.constant 32 : index
      %parallel_loop3A_88 = tpu.vector_load %arg9[%parallel_loop3A_85, %parallel_loop3A_86, %parallel_loop3A_87] {strides = array<i32>} : memref<56x1x128xf32, #tpu.memory_space<vmem>>, vector<16xf32>,
      tpu.vector_store %arg9[%parallel_loop3A_85, %parallel_loop3A_86, %parallel_loop3A_87], %parallel_loop3A_78 {strides = array<i32>} : memref<56x1x128xf32, #tpu.memory_space<vmem>>, vector<16xf32>,
      %parallel_loop3A_89 = arith.index_cast %parallel_loop3A_43 : i32 to index
      %parallel_loop3A_90 = arith.constant 48 : index
      %parallel_loop3A_91 = tpu.vector_load %arg7[%parallel_loop3A_89, %parallel_loop3A_90] {strides = array<i32>} : memref<56x128xi32, #tpu.memory_space<vmem>>, vector<16xi32>,
      %parallel_loop3A_92 = tpu.vector_load_idx %arg6[%broadcast_in_dim3A_3, %parallel_loop3A_91] : memref<2x1024xf32, #tpu.memory_space<vmem>>[vector<16xi32>, vector<16xi32>], vector<16xf32>,
      %parallel_loop3A_93 = tpu.vector_load_idx %arg6[%add3A_6, %parallel_loop3A_91] : memref<2x1024xf32, #tpu.memory_space<vmem>>[vector<16xi32>, vector<16xi32>], vector<16xf32>,
      %parallel_loop3A_94 = arith.constant 0 : i32
      %parallel_loop3A_95 = arith.index_cast %parallel_loop3A_43 : i32 to index
      %parallel_loop3A_96 = arith.index_cast %parallel_loop3A_94 : i32 to index
      %parallel_loop3A_97 = arith.constant 48 : index
      %parallel_loop3A_98 = tpu.vector_load %arg8[%parallel_loop3A_95, %parallel_loop3A_96, %parallel_loop3A_97] {strides = array<i32>} : memref<56x1x128xf32, #tpu.memory_space<vmem>>, vector<16xf32>,
      tpu.vector_store %arg8[%parallel_loop3A_95, %parallel_loop3A_96, %parallel_loop3A_97], %parallel_loop3A_92 {strides = array<i32>} : memref<56x1x128xf32, #tpu.memory_space<vmem>>, vector<16xf32>,
      %parallel_loop3A_99 = arith.constant 0 : i32
      %parallel_loop3A_100 = arith.index_cast %parallel_loop3A_43 : i32 to index
      %parallel_loop3A_101 = arith.index_cast %parallel_loop3A_99 : i32 to index
      %parallel_loop3A_102 = arith.constant 48 : index
      %parallel_loop3A_103 = tpu.vector_load %arg9[%parallel_loop3A_100, %parallel_loop3A_101, %parallel_loop3A_102] {strides = array<i32>} : memref<56x1x128xf32, #tpu.memory_space<vmem>>, vector<16xf32>,
      tpu.vector_store %arg9[%parallel_loop3A_100, %parallel_loop3A_101, %parallel_loop3A_102], %parallel_loop3A_93 {strides = array<i32>} : memref<56x1x128xf32, #tpu.memory_space<vmem>>, vector<16xf32>,
      %parallel_loop3A_104 = arith.index_cast %parallel_loop3A_43 : i32 to index
      %parallel_loop3A_105 = arith.constant 64 : index
      %parallel_loop3A_106 = tpu.vector_load %arg7[%parallel_loop3A_104, %parallel_loop3A_105] {strides = array<i32>} : memref<56x128xi32, #tpu.memory_space<vmem>>, vector<16xi32>,
      %parallel_loop3A_107 = tpu.vector_load_idx %arg6[%broadcast_in_dim3A_3, %parallel_loop3A_106] : memref<2x1024xf32, #tpu.memory_space<vmem>>[vector<16xi32>, vector<16xi32>], vector<16xf32>,
      %parallel_loop3A_108 = tpu.vector_load_idx %arg6[%add3A_6, %parallel_loop3A_106] : memref<2x1024xf32, #tpu.memory_space<vmem>>[vector<16xi32>, vector<16xi32>], vector<16xf32>,
      %parallel_loop3A_109 = arith.constant 0 : i32
      %parallel_loop3A_110 = arith.index_cast %parallel_loop3A_43 : i32 to index
      %parallel_loop3A_111 = arith.index_cast %parallel_loop3A_109 : i32 to index
      %parallel_loop3A_112 = arith.constant 64 : index
      %parallel_loop3A_113 = tpu.vector_load %arg8[%parallel_loop3A_110, %parallel_loop3A_111, %parallel_loop3A_112] {strides = array<i32>} : memref<56x1x128xf32, #tpu.memory_space<vmem>>, vector<16xf32>,
      tpu.vector_store %arg8[%parallel_loop3A_110, %parallel_loop3A_111, %parallel_loop3A_112], %parallel_loop3A_107 {strides = array<i32>} : memref<56x1x128xf32, #tpu.memory_space<vmem>>, vector<16xf32>,
      %parallel_loop3A_114 = arith.constant 0 : i32
      %parallel_loop3A_115 = arith.index_cast %parallel_loop3A_43 : i32 to index
      %parallel_loop3A_116 = arith.index_cast %parallel_loop3A_114 : i32 to index
      %parallel_loop3A_117 = arith.constant 64 : index
      %parallel_loop3A_118 = tpu.vector_load %arg9[%parallel_loop3A_115, %parallel_loop3A_116, %parallel_loop3A_117] {strides = array<i32>} : memref<56x1x128xf32, #tpu.memory_space<vmem>>, vector<16xf32>,
      tpu.vector_store %arg9[%parallel_loop3A_115, %parallel_loop3A_116, %parallel_loop3A_117], %parallel_loop3A_108 {strides = array<i32>} : memref<56x1x128xf32, #tpu.memory_space<vmem>>, vector<16xf32>,
      %parallel_loop3A_119 = arith.index_cast %parallel_loop3A_43 : i32 to index
      %parallel_loop3A_120 = arith.constant 80 : index
      %parallel_loop3A_121 = tpu.vector_load %arg7[%parallel_loop3A_119, %parallel_loop3A_120] {strides = array<i32>} : memref<56x128xi32, #tpu.memory_space<vmem>>, vector<16xi32>,
      %parallel_loop3A_122 = tpu.vector_load_idx %arg6[%broadcast_in_dim3A_3, %parallel_loop3A_121] : memref<2x1024xf32, #tpu.memory_space<vmem>>[vector<16xi32>, vector<16xi32>], vector<16xf32>,
      %parallel_loop3A_123 = tpu.vector_load_idx %arg6[%add3A_6, %parallel_loop3A_121] : memref<2x1024xf32, #tpu.memory_space<vmem>>[vector<16xi32>, vector<16xi32>], vector<16xf32>,
      %parallel_loop3A_124 = arith.constant 0 : i32
      %parallel_loop3A_125 = arith.index_cast %parallel_loop3A_43 : i32 to index
      %parallel_loop3A_126 = arith.index_cast %parallel_loop3A_124 : i32 to index
      %parallel_loop3A_127 = arith.constant 80 : index
      %parallel_loop3A_128 = tpu.vector_load %arg8[%parallel_loop3A_125, %parallel_loop3A_126, %parallel_loop3A_127] {strides = array<i32>} : memref<56x1x128xf32, #tpu.memory_space<vmem>>, vector<16xf32>,
      tpu.vector_store %arg8[%parallel_loop3A_125, %parallel_loop3A_126, %parallel_loop3A_127], %parallel_loop3A_122 {strides = array<i32>} : memref<56x1x128xf32, #tpu.memory_space<vmem>>, vector<16xf32>,
      %parallel_loop3A_129 = arith.constant 0 : i32
      %parallel_loop3A_130 = arith.index_cast %parallel_loop3A_43 : i32 to index
      %parallel_loop3A_131 = arith.index_cast %parallel_loop3A_129 : i32 to index
      %parallel_loop3A_132 = arith.constant 80 : index
      %parallel_loop3A_133 = tpu.vector_load %arg9[%parallel_loop3A_130, %parallel_loop3A_131, %parallel_loop3A_132] {strides = array<i32>} : memref<56x1x128xf32, #tpu.memory_space<vmem>>, vector<16xf32>,
      tpu.vector_store %arg9[%parallel_loop3A_130, %parallel_loop3A_131, %parallel_loop3A_132], %parallel_loop3A_123 {strides = array<i32>} : memref<56x1x128xf32, #tpu.memory_space<vmem>>, vector<16xf32>,
      %parallel_loop3A_134 = arith.index_cast %parallel_loop3A_43 : i32 to index
      %parallel_loop3A_135 = arith.constant 96 : index
      %parallel_loop3A_136 = tpu.vector_load %arg7[%parallel_loop3A_134, %parallel_loop3A_135] {strides = array<i32>} : memref<56x128xi32, #tpu.memory_space<vmem>>, vector<16xi32>,
      %parallel_loop3A_137 = tpu.vector_load_idx %arg6[%broadcast_in_dim3A_3, %parallel_loop3A_136] : memref<2x1024xf32, #tpu.memory_space<vmem>>[vector<16xi32>, vector<16xi32>], vector<16xf32>,
      %parallel_loop3A_138 = tpu.vector_load_idx %arg6[%add3A_6, %parallel_loop3A_136] : memref<2x1024xf32, #tpu.memory_space<vmem>>[vector<16xi32>, vector<16xi32>], vector<16xf32>,
      %parallel_loop3A_139 = arith.constant 0 : i32
      %parallel_loop3A_140 = arith.index_cast %parallel_loop3A_43 : i32 to index
      %parallel_loop3A_141 = arith.index_cast %parallel_loop3A_139 : i32 to index
      %parallel_loop3A_142 = arith.constant 96 : index
      %parallel_loop3A_143 = tpu.vector_load %arg8[%parallel_loop3A_140, %parallel_loop3A_141, %parallel_loop3A_142] {strides = array<i32>} : memref<56x1x128xf32, #tpu.memory_space<vmem>>, vector<16xf32>,
      tpu.vector_store %arg8[%parallel_loop3A_140, %parallel_loop3A_141, %parallel_loop3A_142], %parallel_loop3A_137 {strides = array<i32>} : memref<56x1x128xf32, #tpu.memory_space<vmem>>, vector<16xf32>,
      %parallel_loop3A_144 = arith.constant 0 : i32
      %parallel_loop3A_145 = arith.index_cast %parallel_loop3A_43 : i32 to index
      %parallel_loop3A_146 = arith.index_cast %parallel_loop3A_144 : i32 to index
      %parallel_loop3A_147 = arith.constant 96 : index
      %parallel_loop3A_148 = tpu.vector_load %arg9[%parallel_loop3A_145, %parallel_loop3A_146, %parallel_loop3A_147] {strides = array<i32>} : memref<56x1x128xf32, #tpu.memory_space<vmem>>, vector<16xf32>,
      tpu.vector_store %arg9[%parallel_loop3A_145, %parallel_loop3A_146, %parallel_loop3A_147], %parallel_loop3A_138 {strides = array<i32>} : memref<56x1x128xf32, #tpu.memory_space<vmem>>, vector<16xf32>,
      %parallel_loop3A_149 = arith.index_cast %parallel_loop3A_43 : i32 to index
      %parallel_loop3A_150 = arith.constant 112 : index
      %parallel_loop3A_151 = tpu.vector_load %arg7[%parallel_loop3A_149, %parallel_loop3A_150] {strides = array<i32>} : memref<56x128xi32, #tpu.memory_space<vmem>>, vector<16xi32>,
      %parallel_loop3A_152 = tpu.vector_load_idx %arg6[%broadcast_in_dim3A_3, %parallel_loop3A_151] : memref<2x1024xf32, #tpu.memory_space<vmem>>[vector<16xi32>, vector<16xi32>], vector<16xf32>,
      %parallel_loop3A_153 = tpu.vector_load_idx %arg6[%add3A_6, %parallel_loop3A_151] : memref<2x1024xf32, #tpu.memory_space<vmem>>[vector<16xi32>, vector<16xi32>], vector<16xf32>,
      %parallel_loop3A_154 = arith.constant 0 : i32
      %parallel_loop3A_155 = arith.index_cast %parallel_loop3A_43 : i32 to index
      %parallel_loop3A_156 = arith.index_cast %parallel_loop3A_154 : i32 to index
      %parallel_loop3A_157 = arith.constant 112 : index
      %parallel_loop3A_158 = tpu.vector_load %arg8[%parallel_loop3A_155, %parallel_loop3A_156, %parallel_loop3A_157] {strides = array<i32>} : memref<56x1x128xf32, #tpu.memory_space<vmem>>, vector<16xf32>,
      tpu.vector_store %arg8[%parallel_loop3A_155, %parallel_loop3A_156, %parallel_loop3A_157], %parallel_loop3A_152 {strides = array<i32>} : memref<56x1x128xf32, #tpu.memory_space<vmem>>, vector<16xf32>,
      %parallel_loop3A_159 = arith.constant 0 : i32
      %parallel_loop3A_160 = arith.index_cast %parallel_loop3A_43 : i32 to index
      %parallel_loop3A_161 = arith.index_cast %parallel_loop3A_159 : i32 to index
      %parallel_loop3A_162 = arith.constant 112 : index
      %parallel_loop3A_163 = tpu.vector_load %arg9[%parallel_loop3A_160, %parallel_loop3A_161, %parallel_loop3A_162] {strides = array<i32>} : memref<56x1x128xf32, #tpu.memory_space<vmem>>, vector<16xf32>,
      tpu.vector_store %arg9[%parallel_loop3A_160, %parallel_loop3A_161, %parallel_loop3A_162], %parallel_loop3A_153 {strides = array<i32>} : memref<56x1x128xf32, #tpu.memory_space<vmem>>, vector<16xf32>,
    } {sc.loop_unroll_factor = 8 : i64, sc.parallel_access}
    %jit3A = arith.constant 4 : i32
    %div3A = arith.divsi %add3A, %jit3A : i32
    %sign3A = arith.constant 0 : i32
    %sign3A_9 = arith.cmpi sgt, %add3A, %sign3A : i32
    %sign3A_10 = arith.extui %sign3A_9 : i1 to i32
    %sign3A_11 = arith.constant 0 : i32
    %sign3A_12 = arith.cmpi slt, %add3A, %sign3A_11 : i32
    %sign3A_13 = arith.extui %sign3A_12 : i1 to i32
    %sign3A_14 = arith.subi %sign3A_10, %sign3A_13 : i32
    %sign3A_15 = arith.constant 0 : i32
    %sign3A_16 = arith.cmpi sgt, %jit3A, %sign3A_15 : i32
    %sign3A_17 = arith.extui %sign3A_16 : i1 to i32
    %sign3A_18 = arith.constant 0 : i32
    %sign3A_19 = arith.cmpi slt, %jit3A, %sign3A_18 : i32
    %sign3A_20 = arith.extui %sign3A_19 : i1 to i32
    %sign3A_21 = arith.subi %sign3A_17, %sign3A_20 : i32
    %ne3A = arith.cmpi ne, %sign3A_14, %sign3A_21 : i32
    %rem3A = arith.remsi %add3A, %jit3A : i32
    %ne3A_22 = arith.constant 0 : i32
    %ne3A_23 = arith.cmpi ne, %rem3A, %ne3A_22 : i32
    %and3A = arith.andi %ne3A, %ne3A_23 : i1
    %sub3A = arith.constant 1 : i32
    %sub3A_24 = arith.subi %div3A, %sub3A : i32
    %select_n3A = arith.select %and3A, %sub3A_24, %div3A : i32
    %jit3A_25 = arith.constant 4 : i32
    %eq3A = arith.constant 0 : i32
    %eq3A_26 = arith.cmpi eq, %jit3A_25, %eq3A : i32
    %jit3A_27 = arith.constant 1 : i32
    %select_n3A_28 = arith.select %eq3A_26, %jit3A_27, %jit3A_25 : i32
    %rem3A_29 = arith.remsi %add3A, %select_n3A_28 : i32
    %ne3A_30 = arith.constant 0 : i32
    %ne3A_31 = arith.cmpi ne, %rem3A_29, %ne3A_30 : i32
    %lt3A = arith.constant 0 : i32
    %lt3A_32 = arith.cmpi slt, %rem3A_29, %lt3A : i32
    %lt3A_33 = arith.constant 0 : i32
    %lt3A_34 = arith.cmpi slt, %select_n3A_28, %lt3A_33 : i32
    %ne3A_35 = arith.xori %lt3A_32, %lt3A_34 : i1
    %and3A_36 = arith.andi %ne3A_35, %ne3A_31 : i1
    %add3A_37 = arith.addi %rem3A_29, %select_n3A_28 : i32
    %select_n3A_38 = arith.select %and3A_36, %add3A_37, %rem3A_29 : i32
    %mul3A_39 = arith.constant 2 : i32
    %mul3A_40 = arith.muli %select_n3A_38, %mul3A_39 : i32
    "tpu.region"() ({
      %run_scoped3A = tpu.sem_alloc : memref<!tpu.dma_semaphore, #tpu.memory_space<semaphore_mem>>
      %dma_start3A = arith.constant 200 : i32
      %dma_start3A_43 = arith.constant 0 : i32
      %dma_start3A_44 = tpu.memref_slice %arg4[%select_n3A, %dma_start3A, %mul3A_40, %dma_start3A_43] : memref<8x256x8x128xf32, #tpu.memory_space<hbm>> -> memref<1x56x1x128xf32, #tpu.memory_space<hbm>>
      %dma_start3A_45 = tpu.memref_squeeze %dma_start3A_44 : memref<1x56x1x128xf32, #tpu.memory_space<hbm>> -> memref<56x1x128xf32, #tpu.memory_space<hbm>>
      %dma_start3A_46 = arith.constant 200 : i32
      %dma_start3A_47 = arith.constant 0 : i32
      %dma_start3A_48 = tpu.memref_slice %arg4[%select_n3A, %dma_start3A_46, %mul3A_40, %dma_start3A_47] : memref<8x256x8x128xf32, #tpu.memory_space<hbm>> -> memref<1x56x1x128xf32, #tpu.memory_space<hbm>>
      %dma_start3A_49 = tpu.memref_squeeze %dma_start3A_48 : memref<1x56x1x128xf32, #tpu.memory_space<hbm>> -> memref<56x1x128xf32, #tpu.memory_space<hbm>>
      tpu.enqueue_dma source(%arg8 : memref<56x1x128xf32, #tpu.memory_space<vmem>>) target(%dma_start3A_49 : memref<56x1x128xf32, #tpu.memory_space<hbm>>) target_semaphore(%run_scoped3A : memref<!tpu.dma_semaphore, #tpu.memory_space<semaphore_mem>>)
      %dma_wait3A = arith.constant 200 : i32
      %dma_wait3A_50 = arith.constant 0 : i32
      %dma_wait3A_51 = tpu.memref_slice %arg4[%select_n3A, %dma_wait3A, %mul3A_40, %dma_wait3A_50] : memref<8x256x8x128xf32, #tpu.memory_space<hbm>> -> memref<1x56x1x128xf32, #tpu.memory_space<hbm>>
      %dma_wait3A_52 = tpu.memref_squeeze %dma_wait3A_51 : memref<1x56x1x128xf32, #tpu.memory_space<hbm>> -> memref<56x1x128xf32, #tpu.memory_space<hbm>>
      %dma_wait3A_53 = arith.constant 200 : i32
      %dma_wait3A_54 = arith.constant 0 : i32
      %dma_wait3A_55 = tpu.memref_slice %arg4[%select_n3A, %dma_wait3A_53, %mul3A_40, %dma_wait3A_54] : memref<8x256x8x128xf32, #tpu.memory_space<hbm>> -> memref<1x56x1x128xf32, #tpu.memory_space<hbm>>
      %dma_wait3A_56 = tpu.memref_squeeze %dma_wait3A_55 : memref<1x56x1x128xf32, #tpu.memory_space<hbm>> -> memref<56x1x128xf32, #tpu.memory_space<hbm>>
      tpu.wait_dma2 semaphore(%run_scoped3A : memref<!tpu.dma_semaphore, #tpu.memory_space<semaphore_mem>>) src(%arg8 : memref<56x1x128xf32, #tpu.memory_space<vmem>>) dst(%dma_wait3A_56 : memref<56x1x128xf32, #tpu.memory_space<hbm>>)
      tpu.yield
    }) : () -> ()
    %add3A_41 = arith.constant 1 : i32
    %add3A_42 = arith.addi %mul3A_40, %add3A_41 : i32
    "tpu.region"() ({
      %run_scoped3A = tpu.sem_alloc : memref<!tpu.dma_semaphore, #tpu.memory_space<semaphore_mem>>
      %dma_start3A = arith.constant 200 : i32
      %dma_start3A_43 = arith.constant 0 : i32
      %dma_start3A_44 = tpu.memref_slice %arg4[%select_n3A, %dma_start3A, %add3A_42, %dma_start3A_43] : memref<8x256x8x128xf32, #tpu.memory_space<hbm>> -> memref<1x56x1x128xf32, #tpu.memory_space<hbm>>
      %dma_start3A_45 = tpu.memref_squeeze %dma_start3A_44 : memref<1x56x1x128xf32, #tpu.memory_space<hbm>> -> memref<56x1x128xf32, #tpu.memory_space<hbm>>
      %dma_start3A_46 = arith.constant 200 : i32
      %dma_start3A_47 = arith.constant 0 : i32
      %dma_start3A_48 = tpu.memref_slice %arg4[%select_n3A, %dma_start3A_46, %add3A_42, %dma_start3A_47] : memref<8x256x8x128xf32, #tpu.memory_space<hbm>> -> memref<1x56x1x128xf32, #tpu.memory_space<hbm>>
      %dma_start3A_49 = tpu.memref_squeeze %dma_start3A_48 : memref<1x56x1x128xf32, #tpu.memory_space<hbm>> -> memref<56x1x128xf32, #tpu.memory_space<hbm>>
      tpu.enqueue_dma source(%arg9 : memref<56x1x128xf32, #tpu.memory_space<vmem>>) target(%dma_start3A_49 : memref<56x1x128xf32, #tpu.memory_space<hbm>>) target_semaphore(%run_scoped3A : memref<!tpu.dma_semaphore, #tpu.memory_space<semaphore_mem>>)
      %dma_wait3A = arith.constant 200 : i32
      %dma_wait3A_50 = arith.constant 0 : i32
      %dma_wait3A_51 = tpu.memref_slice %arg4[%select_n3A, %dma_wait3A, %add3A_42, %dma_wait3A_50] : memref<8x256x8x128xf32, #tpu.memory_space<hbm>> -> memref<1x56x1x128xf32, #tpu.memory_space<hbm>>
      %dma_wait3A_52 = tpu.memref_squeeze %dma_wait3A_51 : memref<1x56x1x128xf32, #tpu.memory_space<hbm>> -> memref<56x1x128xf32, #tpu.memory_space<hbm>>
      %dma_wait3A_53 = arith.constant 200 : i32
      %dma_wait3A_54 = arith.constant 0 : i32
      %dma_wait3A_55 = tpu.memref_slice %arg4[%select_n3A, %dma_wait3A_53, %add3A_42, %dma_wait3A_54] : memref<8x256x8x128xf32, #tpu.memory_space<hbm>> -> memref<1x56x1x128xf32, #tpu.memory_space<hbm>>
      %dma_wait3A_56 = tpu.memref_squeeze %dma_wait3A_55 : memref<1x56x1x128xf32, #tpu.memory_space<hbm>> -> memref<56x1x128xf32, #tpu.memory_space<hbm>>
      tpu.wait_dma2 semaphore(%run_scoped3A : memref<!tpu.dma_semaphore, #tpu.memory_space<semaphore_mem>>) src(%arg9 : memref<56x1x128xf32, #tpu.memory_space<vmem>>) dst(%dma_wait3A_56 : memref<56x1x128xf32, #tpu.memory_space<hbm>>)
      tpu.yield
    }) : () -> ()
    return
  }
}

module attributes {stable_mosaic.version = 14 : i64} {
  func.func @_argmax_body(%arg0: i32, %arg1: memref<1024x1024xf32, #tpu.memory_space<vmem>>, %arg2: memref<8x128xi32, #tpu.memory_space<vmem>>) attributes {dimension_semantics = [#tpu.dimension_semantics<arbitrary>], iteration_bounds = array<i64: 25>, scalar_prefetch = 0 : i64, scratch_operands = 0 : i64, tpu.core_type = #tpu.core_type<tc>, window_params = [{transform_indices = @transform_0, window_bounds = array<i64: 1024, 1024>}, {transform_indices = @transform_1, window_bounds = array<i64: 8, 128>}]} {
    %get3A = arith.constant 0 : index
    %get3A_0 = arith.constant 0 : index
    %get3A_1 = vector.load %arg1[%get3A, %get3A_0] : memref<1024x1024xf32, #tpu.memory_space<vmem>>, vector<1024x1024xf32>
    %reduce_max3A = arith.constant dense<0xFF800000> : vector<1024xf32>
    %reduce_max3A_2 = vector.multi_reduction <maximumf>, %get3A_1, %reduce_max3A [1] : vector<1024x1024xf32> to vector<1024xf32>
    %broadcast_in_dim3A = vector.shape_cast %reduce_max3A_2 : vector<1024xf32> to vector<1024x1xf32>
    %iota3A = tpu.iota {dimensions = array<i32: 1>} : vector<1024x1024xi32>
    %eq3A = vector.broadcast %broadcast_in_dim3A : vector<1024x1xf32> to vector<1024x1024xf32>
    %eq3A_3 = arith.cmpf oeq, %get3A_1, %eq3A : vector<1024x1024xf32>
    %jit3A = arith.constant 1024 : i32
    %broadcast_in_dim3A_4 = vector.broadcast %jit3A : i32 to vector<1024x1024xi32>
    %select_n3A = arith.select %eq3A_3, %iota3A, %broadcast_in_dim3A_4 : vector<1024x1024xi1>, vector<1024x1024xi32>
    %reduce_min3A = arith.constant dense<2147483647> : vector<1024xi32>
    %reduce_min3A_5 = vector.multi_reduction <minsi>, %select_n3A, %reduce_min3A [1] : vector<1024x1024xi32> to vector<1024xi32>
    %reshape3A = vector.shape_cast %reduce_min3A_5 : vector<1024xi32> to vector<8x128xi32>
    %swap3A = arith.constant 0 : index
    %swap3A_6 = arith.constant 0 : index
    %swap3A_7 = vector.load %arg2[%swap3A, %swap3A_6] : memref<8x128xi32, #tpu.memory_space<vmem>>, vector<8x128xi32>
    tpu.vector_store %arg2[%swap3A, %swap3A_6], %reshape3A {strides = array<i32>} : memref<8x128xi32, #tpu.memory_space<vmem>>, vector<8x128xi32>,
    return
  }
  func.func @transform_0(%arg0: i32) -> (i32, i32) {
    %add3A = arith.constant 0 : i32
    %add3A_0 = arith.addi %add3A, %arg0 : i32
    %c0_i32 = arith.constant 0 : i32
    %c0_i32_1 = arith.constant 0 : i32
    return %add3A_0, %c0_i32 : i32, i32
  }
  func.func @transform_1(%arg0: i32) -> (i32, i32) {
    %c0_i32 = arith.constant 0 : i32
    %c0_i32_0 = arith.constant 0 : i32
    return %arg0, %c0_i32 : i32, i32
  }
}

module attributes {stable_mosaic.version = 14 : i64} {
  func.func @_argmax_body(%arg0: i32, %arg1: memref<1024x1024xf32, #tpu.memory_space<vmem>>, %arg2: memref<8x128xi32, #tpu.memory_space<vmem>>) attributes {dimension_semantics = [#tpu.dimension_semantics<arbitrary>], iteration_bounds = array<i64: 7>, scalar_prefetch = 0 : i64, scratch_operands = 0 : i64, tpu.core_type = #tpu.core_type<tc>, window_params = [{transform_indices = @transform_0, window_bounds = array<i64: 1024, 1024>}, {transform_indices = @transform_1, window_bounds = array<i64: 8, 128>}]} {
    %get3A = arith.constant 0 : index
    %get3A_0 = arith.constant 0 : index
    %get3A_1 = vector.load %arg1[%get3A, %get3A_0] : memref<1024x1024xf32, #tpu.memory_space<vmem>>, vector<1024x1024xf32>
    %reduce_max3A = arith.constant dense<0xFF800000> : vector<1024xf32>
    %reduce_max3A_2 = vector.multi_reduction <maximumf>, %get3A_1, %reduce_max3A [1] : vector<1024x1024xf32> to vector<1024xf32>
    %broadcast_in_dim3A = vector.shape_cast %reduce_max3A_2 : vector<1024xf32> to vector<1024x1xf32>
    %iota3A = tpu.iota {dimensions = array<i32: 1>} : vector<1024x1024xi32>
    %eq3A = vector.broadcast %broadcast_in_dim3A : vector<1024x1xf32> to vector<1024x1024xf32>
    %eq3A_3 = arith.cmpf oeq, %get3A_1, %eq3A : vector<1024x1024xf32>
    %jit3A = arith.constant 1024 : i32
    %broadcast_in_dim3A_4 = vector.broadcast %jit3A : i32 to vector<1024x1024xi32>
    %select_n3A = arith.select %eq3A_3, %iota3A, %broadcast_in_dim3A_4 : vector<1024x1024xi1>, vector<1024x1024xi32>
    %reduce_min3A = arith.constant dense<2147483647> : vector<1024xi32>
    %reduce_min3A_5 = vector.multi_reduction <minsi>, %select_n3A, %reduce_min3A [1] : vector<1024x1024xi32> to vector<1024xi32>
    %reshape3A = vector.shape_cast %reduce_min3A_5 : vector<1024xi32> to vector<8x128xi32>
    %swap3A = arith.constant 0 : index
    %swap3A_6 = arith.constant 0 : index
    %swap3A_7 = vector.load %arg2[%swap3A, %swap3A_6] : memref<8x128xi32, #tpu.memory_space<vmem>>, vector<8x128xi32>
    tpu.vector_store %arg2[%swap3A, %swap3A_6], %reshape3A {strides = array<i32>} : memref<8x128xi32, #tpu.memory_space<vmem>>, vector<8x128xi32>,
    return
  }
  func.func @transform_0(%arg0: i32) -> (i32, i32) {
    %add3A = arith.constant 25 : i32
    %add3A_0 = arith.addi %add3A, %arg0 : i32
    %c0_i32 = arith.constant 0 : i32
    %c0_i32_1 = arith.constant 0 : i32
    return %add3A_0, %c0_i32 : i32, i32
  }
  func.func @transform_1(%arg0: i32) -> (i32, i32) {
    %c0_i32 = arith.constant 0 : i32
    %c0_i32_0 = arith.constant 0 : i32
    return %arg0, %c0_i32 : i32, i32
  }
}

</mosaic_0001>

<sc_bundles>
// kernel: kernel.6.cloned.1.call-start
scs
__scs_entry_jumppad:
0x0: {  	(pc) =	sbr.rel $0x88, $3  }
0x1: {  	(tag) =	ssettag $0x0;
	lr =	simm.s32 $0x1  }
0x2: {  	[smem:$0x3F9F] =	sst lr;
	_ =	strace $0xD0000000  }
0x3: {  	_ = 	snop  }
0x4: {  	_ = 	snop  }
0x5: {  	_ = 	snop  }
0x6: {  	_ = 	snop  }
0x7: {  	_ = 	snop  }
__scs_overlays_trampoline_lowered:
0x8: {  	[smem:$0x3FAE] =	sst s0  }
0x9: {  	[smem:$0x3FAF] =	sst s1  }
0xa: {  	[smem:$0x3FB0] =	sst s2  }
0xb: {  	[smem:$0x3FB1] =	sst s3  }
0xc: {  	[smem:$0x3FB2] =	sst s4  }
0xd: {  	[smem:$0x3FB3] =	sst s5  }
0xe: {  	[smem:$0x3FB4] =	sst s6  }
0xf: {  	[smem:$0x3FB5] =	sst s7  }
0x10: {  	[smem:$0x3FB6] =	sst s8  }
0x11: {  	[smem:$0x3FB7] =	sst s9;
	s0 =	simm.s32 @!p0 $0x0  }
0x12: {  	s1 =	sld [smem:$0x3F9D];
	s0 =	simm.s32 @p0 $0x1  }
0x13: {  	[smem:$0x3FB8] =	sst s0;
	s0 =	simm.s32 @!p1 $0x0  }
0x14: {  	s2 =	sld [smem:$0x3F9C];
	s0 =	simm.s32 @p1 $0x1  }
0x15: {  	[smem:$0x3FB9] =	sst s0;
	s0 =	simm.s32 @!p2 $0x0  }
0x16: {  	s3 =	sld [smem:$0x3FDB];
	s0 =	simm.s32 @p2 $0x1  }
0x17: {  	s4 =	simm.s32 $0x1BF5;
	[smem:$0x3FBB] =	sst s0  }
0x18: {  	s0 =	sld [smem:$0x3F9E];
	_ =	swait.ge [sflag:s4], $0x0  }
0x19: {  	s7 =	sld [smem:$0x3F9F]  }
0x1a: {  	s8 =	sadd.s32 $0xFFFFE003, lr  }
0x1b: {  	s9 =	sadd.s32 $0xFFFFFEF7, lr;
	s5 =	simm.s32 $0xFFFFFFFF;
	p2 =	slt.u32 s8, $0xFFFFF086  }
0x1c: {  	p1 =	slt.u32 s9, $0xF7A;
	s5 =	simm.s32 @!p2 $0x0  }
0x1d: {  	s5 =	simm.s32 @p1 $0x1;
	p0 =	seq.s32 s7, s2  }
0x1e: {  	s7 =	smul.u32 @!p0 $0xF7A, s2;
	p2 =	seq.s32 @!p0 s5, $0x0  }
0x1f: {  	s9 =	smul.u32 $0xF7A, s1;
	s8 =	simm.s32 @!p0 $0x1BF5;
	p2 =	por !p2, p0  }
0x20: {  	[sflag:s8] =	ssyncset.s32 @!p0 $0xFFFFF086;
	s6 =	sadd.s32 @!p0 s3, s7;
	s7 =	simm.s32 @!p0 $0x108  }
0x21: {  	s3 =	sadd.s32 s3, s9;
	s6 =	sadd.s32 @!p0 $0x88, s6;
	s7 =	simm.s32 @p2 $0x1082  }
0x22: {  	[simem:s7], [sflag:s8] =	dma.local @!p0 [hbm:s6], $0xF7A  }
0x23: {  	s9 =	sor.u32 $0xD0000000, s2;
	s6 =	simm.s32 $0x108;
	_ =	swait.ge @!p0 [sflag:s8], $0x0  }
0x24: {  	s3 =	sadd.s32 $0x88, s3;
	s6 =	simm.s32 @!p1 $0x1082;
	[sflag:s4] =	ssyncset.s32 $0xFFFFF086  }
0x25: {  	[simem:s6], [sflag:s4] =	dma.local [hbm:s3], $0xF7A  }
0x26: {  	[smem:$0x3F9F] =	sst s1;
	(tag) =	ssettag s2;
	_ =	strace s9  }
0x27: {  	s1 =	sld [smem:$0x3FAF]  }
0x28: {  	s2 =	sld [smem:$0x3FB0]  }
0x29: {  	s4 =	sld [smem:$0x3FB2]  }
0x2a: {  	p0 =	seq.s32 s5, $0x0;
	s5 =	sld [smem:$0x3FB3]  }
0x2b: {  	s6 =	sld [smem:$0x3FB4]  }
0x2c: {  	s7 =	sld [smem:$0x3FB5]  }
0x2d: {  	s3 =	simm.s32 $0x108;
	s8 =	sld [smem:$0x3FB6]  }
0x2e: {  	s3 =	simm.s32 @!p0 $0x1082;
	s9 =	sld [smem:$0x3FB7]  }
0x2f: {  	lr =	sadd.s32 s0, s3;
	s0 =	sld [smem:$0x3FAE]  }
0x30: {  	s3 =	sld [smem:$0x3FB1]  }
0x31: {  	[smem:$0x3FBA] =	sst s10  }
0x32: {  	s10 =	sld [smem:$0x3FB8];
	_ =	sdelay $0x3  }
0x33: {  	p0 =	seq.s32 s10, $0x1;
	s10 =	sld [smem:$0x3FBA];
	_ =	sdelay $0x3  }
0x34: {  	[smem:$0x3FBA] =	sst s10  }
0x35: {  	s10 =	sld [smem:$0x3FB9];
	_ =	sdelay $0x3  }
0x36: {  	p1 =	seq.s32 s10, $0x1;
	s10 =	sld [smem:$0x3FBA];
	_ =	sdelay $0x3  }
0x37: {  	[smem:$0x3FBA] =	sst s10  }
0x38: {  	s10 =	sld [smem:$0x3FBB]  }
0x39: {  	_ = 	snop;
	(pc) =	sbr.ind lr, $3  }
0x3a: {  	_ = 	snop  }
0x3b: {  	_ = 	snop  }
0x3c: {  	p2 =	seq.s32 s10, $0x1;
	s10 =	sld [smem:$0x3FBA]  }
0x3d: {  	_ =	shalt  }
0x3e: {  	_ =	shalt  }
0x3f: {  	_ =	shalt  }
0x40: {  	_ =	shalt  }
0x41: {  	_ =	shalt  }
0x42: {  	_ =	shalt  }
0x43: {  	_ =	shalt  }
0x44: {  	_ =	shalt  }
0x45: {  	_ =	shalt  }
0x46: {  	_ =	shalt  }
0x47: {  	_ =	shalt  }
0x48: {  	_ =	shalt  }
0x49: {  	_ =	shalt  }
0x4a: {  	_ =	shalt  }
0x4b: {  	_ =	shalt  }
0x4c: {  	_ =	shalt  }
0x4d: {  	_ =	shalt  }
0x4e: {  	_ =	shalt  }
0x4f: {  	_ =	shalt  }
0x50: {  	_ =	shalt  }
0x51: {  	_ =	shalt  }
0x52: {  	_ =	shalt  }
0x53: {  	_ =	shalt  }
0x54: {  	_ =	shalt  }
0x55: {  	_ =	shalt  }
0x56: {  	_ =	shalt  }
0x57: {  	_ =	shalt  }
0x58: {  	_ =	shalt  }
0x59: {  	_ =	shalt  }
0x5a: {  	_ =	shalt  }
0x5b: {  	_ =	shalt  }
0x5c: {  	_ =	shalt  }
0x5d: {  	_ =	shalt  }
0x5e: {  	_ =	shalt  }
0x5f: {  	_ =	shalt  }
0x60: {  	_ =	shalt  }
0x61: {  	_ =	shalt  }
0x62: {  	_ =	shalt  }
0x63: {  	_ =	shalt  }
0x64: {  	_ =	shalt  }
0x65: {  	_ =	shalt  }
0x66: {  	_ =	shalt  }
0x67: {  	_ =	shalt  }
0x68: {  	_ =	shalt  }
0x69: {  	_ =	shalt  }
0x6a: {  	_ =	shalt  }
0x6b: {  	_ =	shalt  }
0x6c: {  	_ =	shalt  }
0x6d: {  	_ =	shalt  }
0x6e: {  	_ =	shalt  }
0x6f: {  	_ =	shalt  }
0x70: {  	_ =	shalt  }
0x71: {  	_ =	shalt  }
0x72: {  	_ =	shalt  }
0x73: {  	_ =	shalt  }
0x74: {  	_ =	shalt  }
0x75: {  	_ =	shalt  }
0x76: {  	_ =	shalt  }
0x77: {  	_ =	shalt  }
0x78: {  	_ =	shalt  }
0x79: {  	_ =	shalt  }
0x7a: {  	_ =	shalt  }
0x7b: {  	_ =	shalt  }
0x7c: {  	_ =	shalt  }
0x7d: {  	_ =	shalt  }
0x7e: {  	_ =	shalt  }
0x7f: {  	_ =	shalt  }
0x80: {  	_ =	shalt  }
0x81: {  	_ =	shalt  }
0x82: {  	_ =	shalt  }
0x83: {  	_ =	shalt  }
0x84: {  	_ =	shalt  }
0x85: {  	_ =	shalt  }
0x86: {  	_ =	shalt  }
0x87: {  	_ =	shalt  }
.Lfunc_end0:
.L_simem_size_0:
called_computation_lowered:
.L_overlay_start_0:
0x88: {  	s2 =	sld [smem:$0x3FD9]  }
0x89: {  	s3 =	sld [smem:$0x3FFE];
	_ =	sdelay $0x1  }
0x8a: {  	s1 =	srdreg.scid  }
0x8b: {  	s0 =	sand.u32 $0x1, s1  }
0x8c: {  	s17 =	sshll.u32 s0, $0xA;
	s2 =	sadd.s32 s3, s2  }
0x8d: {  	s2 =	sadd.s32 s2, s17  }
0x8e: {  	[smem:$0x3FC6] =	sst s2  }
0x8f: {  	_ = 	snop  }
0x90: {  	s2 =	sld [smem:$0x3FD0];
	(tm) =	ssettm $0x1  }
0x91: {  	s18 =	sld [smem:$0x3FFB];
	_ =	sdelay $0x3  }
0x92: {  	_ =	strace s18  }
0x93: {  	s3 =	sld [smem:$0x3FFC];
	_ =	sdelay $0x3  }
0x94: {  	_ =	strace s3  }
0x95: {  	s3 =	sld [smem:$0x3FFD];
	_ =	sdelay $0x3  }
0x96: {  	_ =	strace s3  }
0x97: {  	_ =	strace $0x8FFFFFFF  }
0x98: {  	s19 =	sld [smem:$0x3FDB];
	_ =	sdelay $0x1  }
0x99: {  	s4 =	simm.s32 $_scs_section_size  }
0x9a: {  	s5 =	simm.s32 $_size__tile_overlayer_lowered;
	s6 =	simm.s32 $_tile_overlayer_lowered  }
0x9b: {  	s22 =	simm.s32 $0x1BFF;
	s21 =	sshll.u32 s6, $0x1;
	s3 =	sadd.s32 s4, s19  }
0x9c: {  	s7 =	simm.s32 $0x0;
	s20 =	sshll.u32 s5, $0x1;
	s5 =	sadd.s32 s21, s3  }
0x9d: {  	[timem:s7], [sflag:s22] =	dma.local [hbm:s5], s20  }
0x9e: {  	_ =	swait.ge [sflag:s22], s20  }
0x9f: {  	s4 =	ssub.s32 $0x0, s20;
	[sflag:s22] =	ssyncset.done $0x0  }
0xa0: {  	[sflag:s22] =	ssyncadd.s32 s4;
	_ =	sdelay $0x1  }
0xa1: {  	s23 =	simm.s32 $0x1B8B  }
0xa2: {  	_ =	swait.ge [sflag:s23], $0x1  }
0xa3: {  	[sflag:s23] =	ssyncset.done $0x0  }
0xa4: {  	s25 =	simm.s32 $0x1B8E;
	s24 =	sld [smem:$0x3FFE];
	[sflag:s23] =	ssyncadd.s32 $0xFFFFFFFF  }
0xa5: {  	s26 =	simm.s32 $execute0_lowered;
	[smem:$0x3FD2] =	sst s25  }
0xa6: {  	s5 =	sshll.u32 s26, $0x1;
	_ =	strace $0x80000046;
	[dreg:$0x1] =	wrdreg $0xFFFFFFFF  }
0xa7: {  	s28 =	simm.s32 $_size_execute0_lowered;
	s3 =	sadd.s32 s3, s5;
	[dreg:$0x0] =	wrdreg $0x0  }
0xa8: {  	s5 =	sshll.u32 s28, $0x1;
	[dreg:$0x2] =	wrdreg s3  }
0xa9: {  	[dreg:$0x3] =	wrdreg s5  }
0xaa: {  	[dreg:$0x4] =	wrdreg $0xC0  }
0xab: {  	_ =	task [dreg:s7], $0x5FFFF  }
0xac: {  	[dreg:$0x1] =	wrdreg $0xFFFFFFFF  }
0xad: {  	[dreg:$0x0] =	wrdreg $0x60  }
0xae: {  	[dreg:$0x2] =	wrdreg s24  }
0xaf: {  	[dreg:$0x3] =	wrdreg s2  }
0xb0: {  	[dreg:$0x4] =	wrdreg $0x9  }
0xb1: {  	_ =	task.clear_ibuf [dreg:s7], $0x5FFFF;
	_ =	strace $0x90000046  }
0xb2: {  	s29 =	simm.s32 $0x9;
	_ =	strace $0x80000048  }
0xb3: {  	_ =	swait.ge [sflag:s29], $0x1  }
0xb4: {  	[sflag:s29] =	ssyncadd.s32 $0xFFFFFFFF  }
0xb5: {  	_ =	strace $0x90000048  }
0xb6: {  	_ =	sfence  }
0xb7: {  	s30 =	sld [smem:$0x0];
	_ =	sdelay $0x2  }
0xb8: {  	s31 =	sshll.u32 s1, $0xD;
	s1 =	sshrl.u32 s1, $0x2  }
0xb9: {  	s3 =	sand.u32 $0x4000, s31;
	s1 =	sadd.s32 s1, s30  }
0xba: {  	s0 =	sor.u32 s3, s0;
	s1 =	sshll.u32 s1, $0x11  }
0xbb: {  	s0 =	sor.u32 s1, s0  }
0xbc: {  	s0 =	sadd.s32 $0x8F2B, s0  }
0xbd: {  	[sflag:s0] =	ssyncadd.remote.s32 $0x1  }
0xbe: {  	_ =	sfence.sel $0xFFFF  }
0xbf: {  	[dreg:$0x0] =	wrdreg $0xFFFFFFFF;
	(pc) =	sbr.abs _section_cstart, $3  }
0xc0: {  	[dreg:$0x1] =	wrdreg $0xFFFFFFFF  }
0xc1: {  	_ =	task.clear_ibuf [dreg:s7], $0x2FFFF;
	_ =	strace $0x9FFFFFFF  }
0xc2: {  	(tm) =	ssettm $0x7FFFFFFF  }
0xc3: {  	_ =	shalt  }
tec
execute0_lowered:
.L_overlay_start_1:
0x0: {  	(tag) =	ssettag $0x1  }
0x1: {  	s3 =	rddreg [dreg:$0x0]  }
0x2: {  	s5 =	rddreg [dreg:$0x1];
	s2 =	srdreg.scid  }
0x3: {  	s0 =	rddreg [dreg:$0x2];
	s1 =	stileid.u32  }
0x4: {  	s9 =	simm.s32 $0x800;
	s10 =	simm.s32 $0x80;
	s11 =	simm.s32 $0x400  }
0x5: {  	s12 =	simm.s32 $0x6C00;
	s13 =	simm.s32 $0xD000;
	s4 =	sand.u32 $0x1, s2  }
0x6: {  	s14 =	simm.s32 $0x0;
	s6 =	sshll.u32 s1, $0x9;
	s7 =	sshll.u32 s4, $0x8  }
0x7: {  	s2 =	simm.s32 $0x0;
	s31 =	sshll.u32 s1, $0x11;
	s6 =	sor.u32 s7, s6  }
0x8: {  	[smem:$0x7FF] =	sst s2;
	s4 =	ssub.s32 $0x2, s4;
	s7 =	sor.u32 s31, s6  }
0x9: {  	_ =	strace $0x80000047;
	s8 =	sshrl.u32 s4, $0x1;
	s7 =	sand.u32 $0x1C0300, s7  }
0xa: {  	s6 =	sadd.s32 s6, s3;
	s3 =	sadd.s32 $0xE00, s3;
	s7 =	sshrl.u32 s7, $0x3  }
0xb: {  	s8 =	ssub.s32 s4, s8;
	s4 =	sadd.s32 $0x1C00, s6;
	s5 =	sadd.s32 s5, s7  }
0xc: {  	s7 =	smax.u32 s8, $0x1;
	s8 =	simm.s32 $0x1;
	s6 =	sadd.s32 $0x10, s5  }
.LBB2_1:
0xd: {  	[tilespmem:s2], [sflag:$0x1] =	stream.linear.gather [hbm4b:s4+s2], $0x800, $0x38;
	[tilespmem:$0x13400] =	vst v63  }
0xe: {  	_ =	swait.ge [sflag:s8], $0x800  }
0xf: {  	[sflag:s8] =	ssyncset.done $0x0  }
0x10: {  	[sflag:s8] =	ssyncadd.s32 $0xFFFFF800  }
0x11: {  	[tilespmem:s9], [sflag:$0x1] =	stream.linear.gather [hbm4b:s3+s2], $0x6400, $0x38;
	[tilespmem:$0x13400] =	vst v63  }
0x12: {  	_ =	swait.ge [sflag:s8], $0x6400  }
0x13: {  	s15 =	simm.s32 $0xFFFFFFF8;
	s16 =	simm.s32 $0xA00;
	[sflag:s8] =	ssyncset.done $0x0  }
0x14: {  	s17 =	simm.s32 $0x6E00;
	s18 =	simm.s32 $0xD200;
	[sflag:s8] =	ssyncadd.s32 $0xFFFF9C00  }
.LBB2_2:
0x15: {  	v0 =	vld [tilespmem:s16+$0xFFFFFE00];
	_ =	sdelay $0x4  }
0x16: {  	v1 =	vadd.s32 $0x400, v0;
	_ =	sdelay $0x3  }
0x17: {  	v0 =	vld.idx.msk [tilespmem:v0+s2+$0x0], $0xffff  }
0x18: {  	v1 =	vld.idx.msk [tilespmem:v1+s2+$0x0], $0xffff;
	_ =	sdelay $0x3  }
0x19: {  	[tilespmem:s17+$0xFFFFFE00] =	vst v0  }
0x1a: {  	[tilespmem:s18+$0xFFFFFE00] =	vst v1  }
0x1b: {  	v0 =	vld [tilespmem:s16+$0xFFFFFE10];
	_ =	sdelay $0x3  }
0x1c: {  	v2 =	vld [tilespmem:s16+$0xFFFFFE80]  }
0x1d: {  	v55 =	vadd.s32 $0x400, v0;
	_ =	sdelay $0x3  }
0x1e: {  	v56 =	vadd.s32 $0x400, v2;
	v0 =	vld.idx.msk [tilespmem:v0+s2+$0x0], $0xffff  }
0x1f: {  	v1 =	vld.idx.msk [tilespmem:v55+s2+$0x0], $0xffff;
	_ =	sdelay $0x2  }
0x20: {  	v2 =	vld.idx.msk [tilespmem:v2+s2+$0x0], $0xffff  }
0x21: {  	[tilespmem:s17+$0xFFFFFE10] =	vst v0;
	v0 =	vld.idx.msk [tilespmem:v56+s2+$0x0], $0xffff  }
0x22: {  	[tilespmem:s18+$0xFFFFFE10] =	vst v1  }
0x23: {  	v1 =	vld [tilespmem:s16+$0xFFFFFE20];
	_ =	sdelay $0x1  }
0x24: {  	[tilespmem:s17+$0xFFFFFE80] =	vst v2  }
0x25: {  	[tilespmem:s18+$0xFFFFFE80] =	vst v0  }
0x26: {  	v0 =	vld [tilespmem:s16+$0xFFFFFE90]  }
0x27: {  	v3 =	vadd.s32 $0x400, v1;
	_ =	sdelay $0x3  }
0x28: {  	v1 =	vld.idx.msk [tilespmem:v1+s2+$0x0], $0xffff;
	v58 =	vadd.s32 $0x400, v0  }
0x29: {  	v57 =	vld.idx.msk [tilespmem:v3+s2+$0x0], $0xffff;
	_ =	sdelay $0x2  }
0x2a: {  	v0 =	vld.idx.msk [tilespmem:v0+s2+$0x0], $0xffff  }
0x2b: {  	[tilespmem:s17+$0xFFFFFE20] =	vst v1;
	v1 =	vld.idx.msk [tilespmem:v58+s2+$0x0], $0xffff  }
0x2c: {  	v4 =	vld [tilespmem:s16+$0xFFFFFF80];
	[tilespmem:s18+$0xFFFFFE20] =	vst v57  }
0x2d: {  	v2 =	vld [tilespmem:s16+$0xFFFFFE30];
	_ =	sdelay $0x1  }
0x2e: {  	[tilespmem:s17+$0xFFFFFE90] =	vst v0  }
0x2f: {  	[tilespmem:s18+$0xFFFFFE90] =	vst v1  }
0x30: {  	v1 =	vld [tilespmem:s16+$0xFFFFFEA0]  }
0x31: {  	v62 =	vld [tilespmem:s16+$0xFFFFFF00];
	v59 =	vadd.s32 $0x400, v2  }
0x32: {  	v6 =	vadd.s32 $0x400, v4;
	_ =	sdelay $0x1  }
0x33: {  	v4 =	vld.idx.msk [tilespmem:v4+s2+$0x0], $0xffff  }
0x34: {  	v60 =	vld.idx.msk [tilespmem:v2+s2+$0x0], $0xffff;
	v63 =	vadd.s32 $0x400, v1  }
0x35: {  	v5 =	vadd.s32 $0x400, v62;
	v61 =	vld.idx.msk [tilespmem:v59+s2+$0x0], $0xffff  }
0x36: {  	v9 =	vld.idx.msk [tilespmem:v6+s2+$0x0], $0xffff  }
0x37: {  	v1 =	vld.idx.msk [tilespmem:v1+s2+$0x0], $0xffff  }
0x38: {  	[tilespmem:s17+$0xFFFFFF80] =	vst v4;
	v3 =	vld.idx.msk [tilespmem:v62+s2+$0x0], $0xffff  }
0x39: {  	[tilespmem:s17+$0xFFFFFE30] =	vst v60;
	v0 =	vld.idx.msk [tilespmem:v63+s2+$0x0], $0xffff  }
0x3a: {  	v5 =	vld.idx.msk [tilespmem:v5+s2+$0x0], $0xffff;
	[tilespmem:s18+$0xFFFFFE30] =	vst v61  }
0x3b: {  	[tilespmem:s18+$0xFFFFFF80] =	vst v9;
	v2 =	vld [tilespmem:s16+$0xFFFFFE40]  }
0x3c: {  	[tilespmem:s17+$0xFFFFFEA0] =	vst v1;
	v1 =	vld [tilespmem:s16+$0xFFFFFF90]  }
0x3d: {  	[tilespmem:s17+$0xFFFFFF00] =	vst v3  }
0x3e: {  	[tilespmem:s18+$0xFFFFFEA0] =	vst v0  }
0x3f: {  	[tilespmem:s18+$0xFFFFFF00] =	vst v5;
	v0 =	vld [tilespmem:s16+$0xFFFFFEB0]  }
0x40: {  	v5 =	vld [tilespmem:s16+$0xFFFFFF10];
	v7 =	vadd.s32 $0x400, v2  }
0x41: {  	v13 =	vadd.s32 $0x400, v1;
	_ =	sdelay $0x1  }
0x42: {  	v2 =	vld.idx.msk [tilespmem:v2+s2+$0x0], $0xffff  }
0x43: {  	v11 =	vadd.s32 $0x400, v0;
	v1 =	vld.idx.msk [tilespmem:v1+s2+$0x0], $0xffff  }
0x44: {  	v12 =	vadd.s32 $0x400, v5;
	v10 =	vld.idx.msk [tilespmem:v7+s2+$0x0], $0xffff  }
0x45: {  	v15 =	vld.idx.msk [tilespmem:v13+s2+$0x0], $0xffff  }
0x46: {  	v0 =	vld.idx.msk [tilespmem:v0+s2+$0x0], $0xffff  }
0x47: {  	v5 =	vld.idx.msk [tilespmem:v5+s2+$0x0], $0xffff;
	[tilespmem:s17+$0xFFFFFE40] =	vst v2  }
0x48: {  	v2 =	vld.idx.msk [tilespmem:v11+s2+$0x0], $0xffff;
	[tilespmem:s17+$0xFFFFFF90] =	vst v1  }
0x49: {  	v4 =	vld.idx.msk [tilespmem:v12+s2+$0x0], $0xffff;
	[tilespmem:s18+$0xFFFFFE40] =	vst v10  }
0x4a: {  	[tilespmem:s18+$0xFFFFFF90] =	vst v15;
	v3 =	vld [tilespmem:s16+$0xFFFFFE50]  }
0x4b: {  	[tilespmem:s17+$0xFFFFFEB0] =	vst v0;
	v0 =	vld [tilespmem:s16+$0xFFFFFFA0]  }
0x4c: {  	[tilespmem:s17+$0xFFFFFF10] =	vst v5  }
0x4d: {  	v24 =	vld [tilespmem:s16+$0x0];
	[tilespmem:s18+$0xFFFFFEB0] =	vst v2  }
0x4e: {  	[tilespmem:s18+$0xFFFFFF10] =	vst v4;
	v2 =	vld [tilespmem:s16+$0xFFFFFEC0]  }
0x4f: {  	v4 =	vld [tilespmem:s16+$0xFFFFFF20];
	v14 =	vadd.s32 $0x400, v3  }
0x50: {  	v26 =	vld [tilespmem:s16+$0x80];
	v19 =	vadd.s32 $0x400, v0  }
0x51: {  	v29 =	vld [tilespmem:s16+$0x180]  }
0x52: {  	v3 =	vld.idx.msk [tilespmem:v3+s2+$0x0], $0xffff  }
0x53: {  	v17 =	vadd.s32 $0x400, v2;
	v0 =	vld.idx.msk [tilespmem:v0+s2+$0x0], $0xffff  }
0x54: {  	v18 =	vadd.s32 $0x400, v4;
	v16 =	vld.idx.msk [tilespmem:v14+s2+$0x0], $0xffff  }
0x55: {  	v20 =	vld.idx.msk [tilespmem:v19+s2+$0x0], $0xffff  }
0x56: {  	v2 =	vld.idx.msk [tilespmem:v2+s2+$0x0], $0xffff  }
0x57: {  	v4 =	vld.idx.msk [tilespmem:v4+s2+$0x0], $0xffff;
	[tilespmem:s17+$0xFFFFFE50] =	vst v3  }
0x58: {  	v9 =	vadd.s32 $0x400, v24;
	v1 =	vld.idx.msk [tilespmem:v17+s2+$0x0], $0xffff;
	[tilespmem:s17+$0xFFFFFFA0] =	vst v0  }
0x59: {  	v3 =	vld.idx.msk [tilespmem:v18+s2+$0x0], $0xffff;
	[tilespmem:s18+$0xFFFFFE50] =	vst v16  }
0x5a: {  	[tilespmem:s18+$0xFFFFFFA0] =	vst v20;
	v5 =	vld [tilespmem:s16+$0xFFFFFE60]  }
0x5b: {  	[tilespmem:s17+$0xFFFFFEC0] =	vst v2;
	v2 =	vld [tilespmem:s16+$0xFFFFFFB0]  }
0x5c: {  	v28 =	vld [tilespmem:s16+$0x100];
	v10 =	vadd.s32 $0x400, v29;
	[tilespmem:s17+$0xFFFFFF20] =	vst v4  }
0x5d: {  	v27 =	vld.idx.msk [tilespmem:v9+s2+$0x0], $0xffff;
	[tilespmem:s18+$0xFFFFFEC0] =	vst v1  }
0x5e: {  	[tilespmem:s18+$0xFFFFFF20] =	vst v3;
	v1 =	vld [tilespmem:s16+$0xFFFFFED0]  }
0x5f: {  	v3 =	vld [tilespmem:s16+$0xFFFFFF30];
	v21 =	vadd.s32 $0x400, v5  }
0x60: {  	v7 =	vld.idx.msk [tilespmem:v24+s2+$0x0], $0xffff;
	v8 =	vadd.s32 $0x400, v2  }
0x61: {  	v35 =	vld.idx.msk [tilespmem:v10+s2+$0x0], $0xffff  }
0x62: {  	v5 =	vld.idx.msk [tilespmem:v5+s2+$0x0], $0xffff  }
0x63: {  	v22 =	vadd.s32 $0x400, v1;
	v2 =	vld.idx.msk [tilespmem:v2+s2+$0x0], $0xffff  }
0x64: {  	v0 =	vld.idx.msk [tilespmem:v21+s2+$0x0], $0xffff  }
0x65: {  	v23 =	vadd.s32 $0x400, v3;
	v25 =	vld.idx.msk [tilespmem:v8+s2+$0x0], $0xffff  }
0x66: {  	v1 =	vld.idx.msk [tilespmem:v1+s2+$0x0], $0xffff  }
0x67: {  	[tilespmem:s17+$0x0] =	vst v7;
	v3 =	vld.idx.msk [tilespmem:v3+s2+$0x0], $0xffff  }
0x68: {  	v31 =	vadd.s32 $0x400, v26;
	[tilespmem:s18+$0x0] =	vst v27;
	v4 =	vld.idx.msk [tilespmem:v22+s2+$0x0], $0xffff  }
0x69: {  	v33 =	vadd.s32 $0x400, v28;
	[tilespmem:s17+$0xFFFFFFB0] =	vst v2;
	v2 =	vld.idx.msk [tilespmem:v29+s2+$0x0], $0xffff  }
0x6a: {  	v6 =	vld.idx.msk [tilespmem:v23+s2+$0x0], $0xffff;
	[tilespmem:s17+$0xFFFFFE60] =	vst v5  }
0x6b: {  	[tilespmem:s17+$0xFFFFFED0] =	vst v1;
	v1 =	vld.idx.msk [tilespmem:v26+s2+$0x0], $0xffff  }
0x6c: {  	[tilespmem:s17+$0xFFFFFF30] =	vst v3;
	v3 =	vld.idx.msk [tilespmem:v28+s2+$0x0], $0xffff  }
0x6d: {  	v7 =	vld.idx.msk [tilespmem:v31+s2+$0x0], $0xffff;
	[tilespmem:s18+$0xFFFFFED0] =	vst v4  }
0x6e: {  	v5 =	vld.idx.msk [tilespmem:v33+s2+$0x0], $0xffff;
	[tilespmem:s17+$0x180] =	vst v2  }
0x6f: {  	v4 =	vld [tilespmem:s16+$0x10];
	[tilespmem:s18+$0x180] =	vst v35  }
0x70: {  	[tilespmem:s17+$0x80] =	vst v1  }
0x71: {  	[tilespmem:s17+$0x100] =	vst v3  }
0x72: {  	v1 =	vld [tilespmem:s16+$0x190];
	[tilespmem:s18+$0x80] =	vst v7  }
0x73: {  	[tilespmem:s18+$0x100] =	vst v5;
	v37 =	vld [tilespmem:s16+$0x90]  }
0x74: {  	[tilespmem:s18+$0xFFFFFE60] =	vst v0;
	v11 =	vadd.s32 $0x400, v4;
	v5 =	vld [tilespmem:s16+$0x110]  }
0x75: {  	[tilespmem:s18+$0xFFFFFFB0] =	vst v25;
	v0 =	vld [tilespmem:s16+$0xFFFFFE70]  }
0x76: {  	v34 =	vld [tilespmem:s16+$0xFFFFFFC0];
	[tilespmem:s18+$0xFFFFFF30] =	vst v6  }
0x77: {  	v32 =	vld [tilespmem:s16+$0xFFFFFF40]  }
0x78: {  	v4 =	vld.idx.msk [tilespmem:v4+s2+$0x0], $0xffff;
	v12 =	vadd.s32 $0x400, v1  }
0x79: {  	v38 =	vld.idx.msk [tilespmem:v11+s2+$0x0], $0xffff;
	v41 =	vadd.s32 $0x400, v37  }
0x7a: {  	v42 =	vadd.s32 $0x400, v5;
	v1 =	vld.idx.msk [tilespmem:v1+s2+$0x0], $0xffff  }
0x7b: {  	v10 =	vld.idx.msk [tilespmem:v37+s2+$0x0], $0xffff  }
0x7c: {  	v5 =	vld.idx.msk [tilespmem:v5+s2+$0x0], $0xffff  }
0x7d: {  	[tilespmem:s17+$0x10] =	vst v4;
	v44 =	vld.idx.msk [tilespmem:v12+s2+$0x0], $0xffff  }
0x7e: {  	[tilespmem:s18+$0x10] =	vst v38;
	v4 =	vld.idx.msk [tilespmem:v41+s2+$0x0], $0xffff  }
0x7f: {  	v11 =	vld.idx.msk [tilespmem:v42+s2+$0x0], $0xffff;
	[tilespmem:s17+$0x190] =	vst v1  }
0x80: {  	v3 =	vld [tilespmem:s16+$0x20];
	[tilespmem:s17+$0x90] =	vst v10  }
0x81: {  	v30 =	vld [tilespmem:s16+$0xFFFFFEE0];
	[tilespmem:s17+$0x110] =	vst v5  }
0x82: {  	v40 =	vadd.s32 $0x400, v34;
	v9 =	vld.idx.msk [tilespmem:v34+s2+$0x0], $0xffff;
	[tilespmem:s18+$0x190] =	vst v44  }
0x83: {  	v47 =	vld [tilespmem:s16+$0x1A0];
	[tilespmem:s18+$0x90] =	vst v4  }
0x84: {  	[tilespmem:s18+$0x110] =	vst v11;
	v10 =	vld [tilespmem:s16+$0xA0]  }
0x85: {  	v43 =	vadd.s32 $0x400, v3;
	v5 =	vld [tilespmem:s16+$0x120]  }
0x86: {  	v19 =	vld.idx.msk [tilespmem:v0+s2+$0x0], $0xffff  }
0x87: {  	v8 =	vld.idx.msk [tilespmem:v40+s2+$0x0], $0xffff  }
0x88: {  	v39 =	vld.idx.msk [tilespmem:v32+s2+$0x0], $0xffff  }
0x89: {  	v3 =	vld.idx.msk [tilespmem:v3+s2+$0x0], $0xffff;
	v51 =	vadd.s32 $0x400, v47  }
0x8a: {  	v2 =	vld.idx.msk [tilespmem:v43+s2+$0x0], $0xffff;
	v48 =	vadd.s32 $0x400, v10  }
0x8b: {  	v50 =	vadd.s32 $0x400, v5;
	v6 =	vld.idx.msk [tilespmem:v47+s2+$0x0], $0xffff  }
0x8c: {  	[tilespmem:s17+$0xFFFFFFC0] =	vst v9;
	v10 =	vld.idx.msk [tilespmem:v10+s2+$0x0], $0xffff  }
0x8d: {  	[tilespmem:s18+$0xFFFFFFC0] =	vst v8;
	v5 =	vld.idx.msk [tilespmem:v5+s2+$0x0], $0xffff  }
0x8e: {  	v36 =	vadd.s32 $0x400, v32;
	[tilespmem:s17+$0x20] =	vst v3;
	v53 =	vld.idx.msk [tilespmem:v51+s2+$0x0], $0xffff  }
0x8f: {  	[tilespmem:s18+$0x20] =	vst v2;
	v3 =	vld.idx.msk [tilespmem:v48+s2+$0x0], $0xffff  }
0x90: {  	v8 =	vld.idx.msk [tilespmem:v50+s2+$0x0], $0xffff;
	[tilespmem:s17+$0x1A0] =	vst v6  }
0x91: {  	v2 =	vld [tilespmem:s16+$0x30];
	[tilespmem:s17+$0xA0] =	vst v10  }
0x92: {  	v0 =	vadd.s32 $0x400, v0;
	v46 =	vld.idx.msk [tilespmem:v30+s2+$0x0], $0xffff;
	[tilespmem:s17+$0x120] =	vst v5  }
0x93: {  	v7 =	vld.idx.msk [tilespmem:v36+s2+$0x0], $0xffff;
	[tilespmem:s18+$0x1A0] =	vst v53  }
0x94: {  	v10 =	vld [tilespmem:s16+$0x1B0];
	[tilespmem:s18+$0xA0] =	vst v3  }
0x95: {  	[tilespmem:s18+$0x120] =	vst v8;
	v55 =	vld [tilespmem:s16+$0xB0]  }
0x96: {  	v52 =	vadd.s32 $0x400, v2;
	v8 =	vld [tilespmem:s16+$0x130]  }
0x97: {  	v0 =	vld.idx.msk [tilespmem:v0+s2+$0x0], $0xffff;
	[tilespmem:s17+$0xFFFFFF40] =	vst v39  }
0x98: {  	v9 =	vld [tilespmem:s16+$0xFFFFFFD0];
	[tilespmem:s18+$0xFFFFFF40] =	vst v7  }
0x99: {  	v49 =	vld [tilespmem:s16+$0xFFFFFF50]  }
0x9a: {  	v2 =	vld.idx.msk [tilespmem:v2+s2+$0x0], $0xffff;
	v13 =	vadd.s32 $0x400, v10  }
0x9b: {  	v56 =	vld.idx.msk [tilespmem:v52+s2+$0x0], $0xffff;
	v59 =	vadd.s32 $0x400, v55  }
0x9c: {  	v60 =	vadd.s32 $0x400, v8;
	v15 =	vld.idx.msk [tilespmem:v10+s2+$0x0], $0xffff  }
0x9d: {  	v11 =	vld.idx.msk [tilespmem:v55+s2+$0x0], $0xffff  }
0x9e: {  	v62 =	vld.idx.msk [tilespmem:v8+s2+$0x0], $0xffff  }
0x9f: {  	v58 =	vadd.s32 $0x400, v9;
	[tilespmem:s17+$0x30] =	vst v2;
	v16 =	vld.idx.msk [tilespmem:v13+s2+$0x0], $0xffff  }
0xa0: {  	[tilespmem:s18+$0x30] =	vst v56;
	v61 =	vld.idx.msk [tilespmem:v59+s2+$0x0], $0xffff  }
0xa1: {  	v14 =	vld.idx.msk [tilespmem:v60+s2+$0x0], $0xffff;
	[tilespmem:s17+$0x1B0] =	vst v15  }
0xa2: {  	v5 =	vld [tilespmem:s16+$0x40];
	[tilespmem:s17+$0xB0] =	vst v11  }
0xa3: {  	v45 =	vadd.s32 $0x400, v30;
	v9 =	vld.idx.msk [tilespmem:v9+s2+$0x0], $0xffff;
	[tilespmem:s17+$0x130] =	vst v62  }
0xa4: {  	v7 =	vld.idx.msk [tilespmem:v58+s2+$0x0], $0xffff;
	[tilespmem:s18+$0x1B0] =	vst v16  }
0xa5: {  	v20 =	vld [tilespmem:s16+$0x1C0];
	[tilespmem:s18+$0xB0] =	vst v61  }
0xa6: {  	[tilespmem:s18+$0x130] =	vst v14;
	v1 =	vld [tilespmem:s16+$0xC0]  }
0xa7: {  	v63 =	vadd.s32 $0x400, v5;
	v18 =	vld [tilespmem:s16+$0x140]  }
0xa8: {  	v4 =	vld.idx.msk [tilespmem:v45+s2+$0x0], $0xffff;
	[tilespmem:s17+$0xFFFFFFD0] =	vst v9  }
0xa9: {  	v57 =	vld.idx.msk [tilespmem:v49+s2+$0x0], $0xffff;
	[tilespmem:s18+$0xFFFFFFD0] =	vst v7  }
0xaa: {  	v25 =	vld [tilespmem:s16+$0xFFFFFFE0]  }
0xab: {  	v5 =	vld.idx.msk [tilespmem:v5+s2+$0x0], $0xffff;
	v26 =	vadd.s32 $0x400, v20  }
0xac: {  	v17 =	vld.idx.msk [tilespmem:v63+s2+$0x0], $0xffff;
	v22 =	vadd.s32 $0x400, v1  }
0xad: {  	v24 =	vadd.s32 $0x400, v18;
	v6 =	vld.idx.msk [tilespmem:v20+s2+$0x0], $0xffff  }
0xae: {  	[tilespmem:s17+$0xFFFFFEE0] =	vst v46;
	v1 =	vld.idx.msk [tilespmem:v1+s2+$0x0], $0xffff  }
0xaf: {  	v54 =	vadd.s32 $0x400, v49;
	[tilespmem:s18+$0xFFFFFEE0] =	vst v4;
	v4 =	vld.idx.msk [tilespmem:v18+s2+$0x0], $0xffff  }
0xb0: {  	[tilespmem:s17+$0x40] =	vst v5;
	v28 =	vld.idx.msk [tilespmem:v26+s2+$0x0], $0xffff  }
0xb1: {  	[tilespmem:s18+$0x40] =	vst v17;
	v5 =	vld.idx.msk [tilespmem:v22+s2+$0x0], $0xffff  }
0xb2: {  	v7 =	vld.idx.msk [tilespmem:v24+s2+$0x0], $0xffff;
	[tilespmem:s17+$0x1C0] =	vst v6  }
0xb3: {  	v2 =	vld [tilespmem:s16+$0x50];
	[tilespmem:s17+$0xC0] =	vst v1  }
0xb4: {  	v33 =	vadd.s32 $0x400, v25;
	v3 =	vld.idx.msk [tilespmem:v54+s2+$0x0], $0xffff;
	[tilespmem:s17+$0x140] =	vst v4  }
0xb5: {  	v21 =	vld [tilespmem:s16+$0xFFFFFEF0];
	[tilespmem:s18+$0x1C0] =	vst v28  }
0xb6: {  	v1 =	vld [tilespmem:s16+$0x1D0];
	[tilespmem:s18+$0xC0] =	vst v5  }
0xb7: {  	[tilespmem:s18+$0x140] =	vst v7;
	v30 =	vld [tilespmem:s16+$0xD0]  }
0xb8: {  	[tilespmem:s17+$0xFFFFFF50] =	vst v57;
	v27 =	vadd.s32 $0x400, v2;
	v7 =	vld [tilespmem:s16+$0x150]  }
0xb9: {  	v9 =	vld.idx.msk [tilespmem:v33+s2+$0x0], $0xffff;
	[tilespmem:s18+$0xFFFFFF50] =	vst v3  }
0xba: {  	v23 =	vld [tilespmem:s16+$0xFFFFFF60]  }
0xbb: {  	v10 =	vld.idx.msk [tilespmem:v25+s2+$0x0], $0xffff  }
0xbc: {  	v2 =	vld.idx.msk [tilespmem:v2+s2+$0x0], $0xffff;
	v36 =	vadd.s32 $0x400, v1  }
0xbd: {  	v31 =	vld.idx.msk [tilespmem:v27+s2+$0x0], $0xffff;
	v34 =	vadd.s32 $0x400, v30  }
0xbe: {  	v35 =	vadd.s32 $0x400, v7;
	v1 =	vld.idx.msk [tilespmem:v1+s2+$0x0], $0xffff  }
0xbf: {  	v11 =	vld.idx.msk [tilespmem:v30+s2+$0x0], $0xffff  }
0xc0: {  	[tilespmem:s17+$0xFFFFFFE0] =	vst v10;
	v7 =	vld.idx.msk [tilespmem:v7+s2+$0x0], $0xffff  }
0xc1: {  	v29 =	vadd.s32 $0x400, v23;
	[tilespmem:s17+$0x50] =	vst v2;
	v38 =	vld.idx.msk [tilespmem:v36+s2+$0x0], $0xffff  }
0xc2: {  	[tilespmem:s18+$0x50] =	vst v31;
	v2 =	vld.idx.msk [tilespmem:v34+s2+$0x0], $0xffff  }
0xc3: {  	v12 =	vld.idx.msk [tilespmem:v35+s2+$0x0], $0xffff;
	[tilespmem:s17+$0x1D0] =	vst v1  }
0xc4: {  	v4 =	vld [tilespmem:s16+$0x60];
	[tilespmem:s17+$0xD0] =	vst v11  }
0xc5: {  	v32 =	vld.idx.msk [tilespmem:v23+s2+$0x0], $0xffff;
	[tilespmem:s17+$0x150] =	vst v7  }
0xc6: {  	v5 =	vld.idx.msk [tilespmem:v29+s2+$0x0], $0xffff;
	[tilespmem:s18+$0x1D0] =	vst v38  }
0xc7: {  	v1 =	vld [tilespmem:s16+$0x1E0];
	[tilespmem:s18+$0xD0] =	vst v2  }
0xc8: {  	[tilespmem:s18+$0x150] =	vst v12;
	v2 =	vld [tilespmem:s16+$0xE0]  }
0xc9: {  	[tilespmem:s18+$0xFFFFFFE0] =	vst v9;
	v37 =	vadd.s32 $0x400, v4;
	v7 =	vld [tilespmem:s16+$0x160]  }
0xca: {  	v39 =	vld.idx.msk [tilespmem:v21+s2+$0x0], $0xffff;
	[tilespmem:s17+$0xFFFFFF60] =	vst v32  }
0xcb: {  	v42 =	vld [tilespmem:s16+$0xFFFFFFF0];
	[tilespmem:s18+$0xFFFFFF60] =	vst v5  }
0xcc: {  	v41 =	vld [tilespmem:s16+$0xFFFFFF70]  }
0xcd: {  	v4 =	vld.idx.msk [tilespmem:v4+s2+$0x0], $0xffff;
	v45 =	vadd.s32 $0x400, v1  }
0xce: {  	v6 =	vld.idx.msk [tilespmem:v37+s2+$0x0], $0xffff;
	v40 =	vadd.s32 $0x400, v2  }
0xcf: {  	v43 =	vadd.s32 $0x400, v7;
	v1 =	vld.idx.msk [tilespmem:v1+s2+$0x0], $0xffff  }
0xd0: {  	v2 =	vld.idx.msk [tilespmem:v2+s2+$0x0], $0xffff  }
0xd1: {  	v8 =	vadd.s32 $0x400, v21;
	v7 =	vld.idx.msk [tilespmem:v7+s2+$0x0], $0xffff  }
0xd2: {  	[tilespmem:s17+$0x60] =	vst v4;
	v12 =	vld.idx.msk [tilespmem:v45+s2+$0x0], $0xffff  }
0xd3: {  	[tilespmem:s18+$0x60] =	vst v6;
	v9 =	vld.idx.msk [tilespmem:v40+s2+$0x0], $0xffff  }
0xd4: {  	v6 =	vld.idx.msk [tilespmem:v43+s2+$0x0], $0xffff;
	[tilespmem:s17+$0x1E0] =	vst v1  }
0xd5: {  	v44 =	vld [tilespmem:s16+$0x70];
	[tilespmem:s17+$0xE0] =	vst v2  }
0xd6: {  	v8 =	vld.idx.msk [tilespmem:v8+s2+$0x0], $0xffff;
	v49 =	vadd.s32 $0x400, v42;
	[tilespmem:s17+$0x160] =	vst v7  }
0xd7: {  	v53 =	vld.idx.msk [tilespmem:v42+s2+$0x0], $0xffff;
	[tilespmem:s18+$0x1E0] =	vst v12  }
0xd8: {  	v46 =	vadd.s32 $0x400, v41;
	v52 =	vld [tilespmem:s16+$0x1F0];
	[tilespmem:s18+$0xE0] =	vst v9  }
0xd9: {  	[tilespmem:s18+$0x160] =	vst v6;
	v47 =	vld [tilespmem:s16+$0xF0]  }
0xda: {  	v50 =	vld [tilespmem:s16+$0x170];
	v51 =	vadd.s32 $0x400, v44  }
0xdb: {  	[tilespmem:s17+$0xFFFFFE70] =	vst v19;
	v55 =	vld.idx.msk [tilespmem:v49+s2+$0x0], $0xffff  }
0xdc: {  	[tilespmem:s18+$0xFFFFFE70] =	vst v0;
	v48 =	vld.idx.msk [tilespmem:v41+s2+$0x0], $0xffff  }
0xdd: {  	[tilespmem:s17+$0xFFFFFEF0] =	vst v39;
	v2 =	vld.idx.msk [tilespmem:v46+s2+$0x0], $0xffff  }
0xde: {  	[tilespmem:s18+$0xFFFFFEF0] =	vst v8;
	v56 =	vld.idx.msk [tilespmem:v44+s2+$0x0], $0xffff;
	v60 =	vadd.s32 $0x400, v52  }
0xdf: {  	[tilespmem:s17+$0xFFFFFFF0] =	vst v53;
	v54 =	vadd.s32 $0x400, v47;
	v58 =	vld.idx.msk [tilespmem:v51+s2+$0x0], $0xffff  }
0xe0: {  	[tilespmem:s18+$0xFFFFFFF0] =	vst v55;
	v57 =	vadd.s32 $0x400, v50;
	v3 =	vld.idx.msk [tilespmem:v52+s2+$0x0], $0xffff  }
0xe1: {  	[tilespmem:s17+$0xFFFFFF70] =	vst v48;
	v59 =	vld.idx.msk [tilespmem:v47+s2+$0x0], $0xffff  }
0xe2: {  	[tilespmem:s18+$0xFFFFFF70] =	vst v2;
	v1 =	vld.idx.msk [tilespmem:v50+s2+$0x0], $0xffff  }
0xe3: {  	[tilespmem:s17+$0x70] =	vst v56;
	v63 =	vld.idx.msk [tilespmem:v60+s2+$0x0], $0xffff  }
0xe4: {  	s15 =	sadd.s32 $0x8, s15;
	v61 =	vld.idx.msk [tilespmem:v54+s2+$0x0], $0xffff;
	[tilespmem:s18+$0x70] =	vst v58  }
0xe5: {  	p0 =	slt.u32 s15, $0xC0;
	v62 =	vld.idx.msk [tilespmem:v57+s2+$0x0], $0xffff;
	[tilespmem:s17+$0x1F0] =	vst v3  }
.Ltmp0:
0xe6: {  	[tilespmem:s17+$0xF0] =	vst v59;
	(pc) =	sbr.rel @p0 .LBB2_2-.Ltmp0, $4  }
0xe7: {  	[tilespmem:s17+$0x170] =	vst v1  }
0xe8: {  	[tilespmem:s18+$0x1F0] =	vst v63  }
0xe9: {  	[tilespmem:s18+$0xF0] =	vst v61  }
0xea: {  	s16 =	sadd.s32 $0x400, s16;
	s17 =	sadd.s32 $0x400, s17;
	[tilespmem:s18+$0x170] =	vst v62;
	s18 =	sadd.s32 $0x400, s18  }
0xeb: {  	[hbm4b:s5+s10] =	stream.strided.scatter [tilespmem:s12], [sflag:$0x1], $0x6400, s11, s10, $0x38;
	[tilespmem:$0x13400] =	vst v63  }
0xec: {  	s14 =	sadd.s32 $0x1, s14;
	_ =	swait.ge [sflag:s8], $0x6400  }
0xed: {  	p0 =	sne.s32 s14, s7;
	[sflag:s8] =	ssyncset.done $0x0  }
.Ltmp1:
0xee: {  	[sflag:s8] =	ssyncadd.s32 $0xFFFF9C00;
	(pc) =	sbr.rel @p0 .LBB2_1-.Ltmp1, $4  }
0xef: {  	[hbm4b:s6+s10] =	stream.strided.scatter [tilespmem:s13], [sflag:$0x1], $0x6400, s11, s10, $0x38;
	[tilespmem:$0x13400] =	vst v63  }
0xf0: {  	_ =	swait.ge [sflag:s8], $0x6400  }
0xf1: {  	[sflag:s8] =	ssyncset.done $0x0  }
0xf2: {  	[sflag:s8] =	ssyncadd.s32 $0xFFFF9C00  }
0xf3: {  	_ =	sfence.sel $0x180000  }
0xf4: {  	[bflag:$0x0] =	sbarrier.arrive $0xFFFF  }
0xf5: {  	p0 =	sne.s32 s1, $0x0;
	_ =	strace $0x90000047  }
0xf6: {  	s0 =	sadd.s32 @!p0 $0x100000, s0;
	[bflag:$0x2] =	sbarrier.arrive $0xFFFF  }
0xf7: {  	[sflag:s0] =	ssyncadd.tile.s32 @!p0 $0x1;
	_ =	shalt  }
.Lfunc_end2:
_tile_overlayer_lowered:
.L_overlay_start_2:
0xf8: {  	(tag) =	ssettag $0x2  }
0xf9: {  	s0 =	rddreg [dreg:$0x0];
	s2 =	stileid.u32  }
0xfa: {  	s1 =	rddreg [dreg:$0x1];
	p0 =	sne.s32 s2, $0x0  }
0xfb: {  	s3 =	rddreg [dreg:$0x2];
	[bflag:$0x3] =	sbarrier.arrive $0xFFFF;
	s2 =	simm.s32 @!p0 $0x1C01  }
0xfc: {  	[timem:s3], [sflag:s2] =	dma.local @!p0 [hbm:s0], s1  }
0xfd: {  	s0 =	simm.s32 @!p0 $0x1  }
0xfe: {  	_ =	swait.ge @!p0 [sflag:s0], s1  }
0xff: {  	s1 =	ssub.s32 @!p0 $0x0, s1;
	[sflag:s0] =	ssyncset.done @!p0 $0x0  }
0x100: {  	[sflag:s0] =	ssyncadd.s32 @!p0 s1  }
0x101: {  	[bflag:$0x3] =	sbarrier.arrive $0xFFFF  }
0x102: {  	_ =	shalt  }

// kernel: kernel.9.cloned.1.call-start
scs
__scs_entry_jumppad:
0x0: {  	(pc) =	sbr.rel $0x88, $3  }
0x1: {  	(tag) =	ssettag $0x0;
	lr =	simm.s32 $0x1  }
0x2: {  	[smem:$0x3F9F] =	sst lr;
	_ =	strace $0xD0000000  }
0x3: {  	_ = 	snop  }
0x4: {  	_ = 	snop  }
0x5: {  	_ = 	snop  }
0x6: {  	_ = 	snop  }
0x7: {  	_ = 	snop  }
__scs_overlays_trampoline_lowered:
0x8: {  	[smem:$0x3FAE] =	sst s0  }
0x9: {  	[smem:$0x3FAF] =	sst s1  }
0xa: {  	[smem:$0x3FB0] =	sst s2  }
0xb: {  	[smem:$0x3FB1] =	sst s3  }
0xc: {  	[smem:$0x3FB2] =	sst s4  }
0xd: {  	[smem:$0x3FB3] =	sst s5  }
0xe: {  	[smem:$0x3FB4] =	sst s6  }
0xf: {  	[smem:$0x3FB5] =	sst s7  }
0x10: {  	[smem:$0x3FB6] =	sst s8  }
0x11: {  	[smem:$0x3FB7] =	sst s9;
	s0 =	simm.s32 @!p0 $0x0  }
0x12: {  	s1 =	sld [smem:$0x3F9D];
	s0 =	simm.s32 @p0 $0x1  }
0x13: {  	[smem:$0x3FB8] =	sst s0;
	s0 =	simm.s32 @!p1 $0x0  }
0x14: {  	s2 =	sld [smem:$0x3F9C];
	s0 =	simm.s32 @p1 $0x1  }
0x15: {  	[smem:$0x3FB9] =	sst s0;
	s0 =	simm.s32 @!p2 $0x0  }
0x16: {  	s3 =	sld [smem:$0x3FDB];
	s0 =	simm.s32 @p2 $0x1  }
0x17: {  	s4 =	simm.s32 $0x1BF5;
	[smem:$0x3FBB] =	sst s0  }
0x18: {  	s0 =	sld [smem:$0x3F9E];
	_ =	swait.ge [sflag:s4], $0x0  }
0x19: {  	s7 =	sld [smem:$0x3F9F]  }
0x1a: {  	s8 =	sadd.s32 $0xFFFFE003, lr  }
0x1b: {  	s9 =	sadd.s32 $0xFFFFFEF7, lr;
	s5 =	simm.s32 $0xFFFFFFFF;
	p2 =	slt.u32 s8, $0xFFFFF086  }
0x1c: {  	p1 =	slt.u32 s9, $0xF7A;
	s5 =	simm.s32 @!p2 $0x0  }
0x1d: {  	s5 =	simm.s32 @p1 $0x1;
	p0 =	seq.s32 s7, s2  }
0x1e: {  	s7 =	smul.u32 @!p0 $0xF7A, s2;
	p2 =	seq.s32 @!p0 s5, $0x0  }
0x1f: {  	s9 =	smul.u32 $0xF7A, s1;
	s8 =	simm.s32 @!p0 $0x1BF5;
	p2 =	por !p2, p0  }
0x20: {  	[sflag:s8] =	ssyncset.s32 @!p0 $0xFFFFF086;
	s6 =	sadd.s32 @!p0 s3, s7;
	s7 =	simm.s32 @!p0 $0x108  }
0x21: {  	s3 =	sadd.s32 s3, s9;
	s6 =	sadd.s32 @!p0 $0x88, s6;
	s7 =	simm.s32 @p2 $0x1082  }
0x22: {  	[simem:s7], [sflag:s8] =	dma.local @!p0 [hbm:s6], $0xF7A  }
0x23: {  	s9 =	sor.u32 $0xD0000000, s2;
	s6 =	simm.s32 $0x108;
	_ =	swait.ge @!p0 [sflag:s8], $0x0  }
0x24: {  	s3 =	sadd.s32 $0x88, s3;
	s6 =	simm.s32 @!p1 $0x1082;
	[sflag:s4] =	ssyncset.s32 $0xFFFFF086  }
0x25: {  	[simem:s6], [sflag:s4] =	dma.local [hbm:s3], $0xF7A  }
0x26: {  	[smem:$0x3F9F] =	sst s1;
	(tag) =	ssettag s2;
	_ =	strace s9  }
0x27: {  	s1 =	sld [smem:$0x3FAF]  }
0x28: {  	s2 =	sld [smem:$0x3FB0]  }
0x29: {  	s4 =	sld [smem:$0x3FB2]  }
0x2a: {  	p0 =	seq.s32 s5, $0x0;
	s5 =	sld [smem:$0x3FB3]  }
0x2b: {  	s6 =	sld [smem:$0x3FB4]  }
0x2c: {  	s7 =	sld [smem:$0x3FB5]  }
0x2d: {  	s3 =	simm.s32 $0x108;
	s8 =	sld [smem:$0x3FB6]  }
0x2e: {  	s3 =	simm.s32 @!p0 $0x1082;
	s9 =	sld [smem:$0x3FB7]  }
0x2f: {  	lr =	sadd.s32 s0, s3;
	s0 =	sld [smem:$0x3FAE]  }
0x30: {  	s3 =	sld [smem:$0x3FB1]  }
0x31: {  	[smem:$0x3FBA] =	sst s10  }
0x32: {  	s10 =	sld [smem:$0x3FB8];
	_ =	sdelay $0x3  }
0x33: {  	p0 =	seq.s32 s10, $0x1;
	s10 =	sld [smem:$0x3FBA];
	_ =	sdelay $0x3  }
0x34: {  	[smem:$0x3FBA] =	sst s10  }
0x35: {  	s10 =	sld [smem:$0x3FB9];
	_ =	sdelay $0x3  }
0x36: {  	p1 =	seq.s32 s10, $0x1;
	s10 =	sld [smem:$0x3FBA];
	_ =	sdelay $0x3  }
0x37: {  	[smem:$0x3FBA] =	sst s10  }
0x38: {  	s10 =	sld [smem:$0x3FBB]  }
0x39: {  	_ = 	snop;
	(pc) =	sbr.ind lr, $3  }
0x3a: {  	_ = 	snop  }
0x3b: {  	_ = 	snop  }
0x3c: {  	p2 =	seq.s32 s10, $0x1;
	s10 =	sld [smem:$0x3FBA]  }
0x3d: {  	_ =	shalt  }
0x3e: {  	_ =	shalt  }
0x3f: {  	_ =	shalt  }
0x40: {  	_ =	shalt  }
0x41: {  	_ =	shalt  }
0x42: {  	_ =	shalt  }
0x43: {  	_ =	shalt  }
0x44: {  	_ =	shalt  }
0x45: {  	_ =	shalt  }
0x46: {  	_ =	shalt  }
0x47: {  	_ =	shalt  }
0x48: {  	_ =	shalt  }
0x49: {  	_ =	shalt  }
0x4a: {  	_ =	shalt  }
0x4b: {  	_ =	shalt  }
0x4c: {  	_ =	shalt  }
0x4d: {  	_ =	shalt  }
0x4e: {  	_ =	shalt  }
0x4f: {  	_ =	shalt  }
0x50: {  	_ =	shalt  }
0x51: {  	_ =	shalt  }
0x52: {  	_ =	shalt  }
0x53: {  	_ =	shalt  }
0x54: {  	_ =	shalt  }
0x55: {  	_ =	shalt  }
0x56: {  	_ =	shalt  }
0x57: {  	_ =	shalt  }
0x58: {  	_ =	shalt  }
0x59: {  	_ =	shalt  }
0x5a: {  	_ =	shalt  }
0x5b: {  	_ =	shalt  }
0x5c: {  	_ =	shalt  }
0x5d: {  	_ =	shalt  }
0x5e: {  	_ =	shalt  }
0x5f: {  	_ =	shalt  }
0x60: {  	_ =	shalt  }
0x61: {  	_ =	shalt  }
0x62: {  	_ =	shalt  }
0x63: {  	_ =	shalt  }
0x64: {  	_ =	shalt  }
0x65: {  	_ =	shalt  }
0x66: {  	_ =	shalt  }
0x67: {  	_ =	shalt  }
0x68: {  	_ =	shalt  }
0x69: {  	_ =	shalt  }
0x6a: {  	_ =	shalt  }
0x6b: {  	_ =	shalt  }
0x6c: {  	_ =	shalt  }
0x6d: {  	_ =	shalt  }
0x6e: {  	_ =	shalt  }
0x6f: {  	_ =	shalt  }
0x70: {  	_ =	shalt  }
0x71: {  	_ =	shalt  }
0x72: {  	_ =	shalt  }
0x73: {  	_ =	shalt  }
0x74: {  	_ =	shalt  }
0x75: {  	_ =	shalt  }
0x76: {  	_ =	shalt  }
0x77: {  	_ =	shalt  }
0x78: {  	_ =	shalt  }
0x79: {  	_ =	shalt  }
0x7a: {  	_ =	shalt  }
0x7b: {  	_ =	shalt  }
0x7c: {  	_ =	shalt  }
0x7d: {  	_ =	shalt  }
0x7e: {  	_ =	shalt  }
0x7f: {  	_ =	shalt  }
0x80: {  	_ =	shalt  }
0x81: {  	_ =	shalt  }
0x82: {  	_ =	shalt  }
0x83: {  	_ =	shalt  }
0x84: {  	_ =	shalt  }
0x85: {  	_ =	shalt  }
0x86: {  	_ =	shalt  }
0x87: {  	_ =	shalt  }
.Lfunc_end0:
.L_simem_size_0:
called_computation.1_lowered:
.L_overlay_start_0:
0x88: {  	s2 =	sld [smem:$0x3FD9]  }
0x89: {  	s3 =	sld [smem:$0x3FFE];
	_ =	sdelay $0x1  }
0x8a: {  	s1 =	srdreg.scid  }
0x8b: {  	s0 =	sand.u32 $0x1, s1  }
0x8c: {  	s17 =	sshll.u32 s0, $0xA;
	s2 =	sadd.s32 s3, s2  }
0x8d: {  	s2 =	sadd.s32 s2, s17  }
0x8e: {  	[smem:$0x3FC6] =	sst s2  }
0x8f: {  	_ = 	snop  }
0x90: {  	s2 =	sld [smem:$0x3FD0];
	(tm) =	ssettm $0x1  }
0x91: {  	s18 =	sld [smem:$0x3FFB];
	_ =	sdelay $0x3  }
0x92: {  	_ =	strace s18  }
0x93: {  	s3 =	sld [smem:$0x3FFC];
	_ =	sdelay $0x3  }
0x94: {  	_ =	strace s3  }
0x95: {  	s3 =	sld [smem:$0x3FFD];
	_ =	sdelay $0x3  }
0x96: {  	_ =	strace s3  }
0x97: {  	_ =	strace $0x8FFFFFFF  }
0x98: {  	s19 =	sld [smem:$0x3FDB];
	_ =	sdelay $0x1  }
0x99: {  	s4 =	simm.s32 $_scs_section_size  }
0x9a: {  	s5 =	simm.s32 $_size__tile_overlayer_lowered;
	s6 =	simm.s32 $_tile_overlayer_lowered  }
0x9b: {  	s22 =	simm.s32 $0x1BFF;
	s21 =	sshll.u32 s6, $0x1;
	s3 =	sadd.s32 s4, s19  }
0x9c: {  	s7 =	simm.s32 $0x0;
	s20 =	sshll.u32 s5, $0x1;
	s5 =	sadd.s32 s21, s3  }
0x9d: {  	[timem:s7], [sflag:s22] =	dma.local [hbm:s5], s20  }
0x9e: {  	_ =	swait.ge [sflag:s22], s20  }
0x9f: {  	s4 =	ssub.s32 $0x0, s20;
	[sflag:s22] =	ssyncset.done $0x0  }
0xa0: {  	[sflag:s22] =	ssyncadd.s32 s4;
	_ =	sdelay $0x1  }
0xa1: {  	s23 =	simm.s32 $0x1B8B  }
0xa2: {  	_ =	swait.ge [sflag:s23], $0x1  }
0xa3: {  	[sflag:s23] =	ssyncset.done $0x0  }
0xa4: {  	s25 =	simm.s32 $0x1B8E;
	s24 =	sld [smem:$0x3FFE];
	[sflag:s23] =	ssyncadd.s32 $0xFFFFFFFF  }
0xa5: {  	s26 =	simm.s32 $execute0_lowered;
	[smem:$0x3FD2] =	sst s25  }
0xa6: {  	s5 =	sshll.u32 s26, $0x1;
	_ =	strace $0x80000049;
	[dreg:$0x1] =	wrdreg $0xFFFFFFFF  }
0xa7: {  	s28 =	simm.s32 $_size_execute0_lowered;
	s3 =	sadd.s32 s3, s5;
	[dreg:$0x0] =	wrdreg $0x0  }
0xa8: {  	s5 =	sshll.u32 s28, $0x1;
	[dreg:$0x2] =	wrdreg s3  }
0xa9: {  	[dreg:$0x3] =	wrdreg s5  }
0xaa: {  	[dreg:$0x4] =	wrdreg $0xC0  }
0xab: {  	_ =	task [dreg:s7], $0x5FFFF  }
0xac: {  	[dreg:$0x1] =	wrdreg $0xFFFFFFFF  }
0xad: {  	[dreg:$0x0] =	wrdreg $0x60  }
0xae: {  	[dreg:$0x2] =	wrdreg s24  }
0xaf: {  	[dreg:$0x3] =	wrdreg s2  }
0xb0: {  	[dreg:$0x4] =	wrdreg $0x9  }
0xb1: {  	_ =	task.clear_ibuf [dreg:s7], $0x5FFFF;
	_ =	strace $0x90000049  }
0xb2: {  	s29 =	simm.s32 $0x9;
	_ =	strace $0x8000004B  }
0xb3: {  	_ =	swait.ge [sflag:s29], $0x1  }
0xb4: {  	[sflag:s29] =	ssyncadd.s32 $0xFFFFFFFF  }
0xb5: {  	_ =	strace $0x9000004B  }
0xb6: {  	_ =	sfence  }
0xb7: {  	s30 =	sld [smem:$0x0];
	_ =	sdelay $0x2  }
0xb8: {  	s31 =	sshll.u32 s1, $0xD;
	s1 =	sshrl.u32 s1, $0x2  }
0xb9: {  	s3 =	sand.u32 $0x4000, s31;
	s1 =	sadd.s32 s1, s30  }
0xba: {  	s0 =	sor.u32 s3, s0;
	s1 =	sshll.u32 s1, $0x11  }
0xbb: {  	s0 =	sor.u32 s1, s0  }
0xbc: {  	s0 =	sadd.s32 $0x8F2B, s0  }
0xbd: {  	[sflag:s0] =	ssyncadd.remote.s32 $0x1  }
0xbe: {  	_ =	sfence.sel $0xFFFF  }
0xbf: {  	[dreg:$0x0] =	wrdreg $0xFFFFFFFF;
	(pc) =	sbr.abs _section_cstart, $3  }
0xc0: {  	[dreg:$0x1] =	wrdreg $0xFFFFFFFF  }
0xc1: {  	_ =	task.clear_ibuf [dreg:s7], $0x2FFFF;
	_ =	strace $0x9FFFFFFF  }
0xc2: {  	(tm) =	ssettm $0x7FFFFFFF  }
0xc3: {  	_ =	shalt  }
tec
execute0_lowered:
.L_overlay_start_1:
0x0: {  	(tag) =	ssettag $0x1  }
0x1: {  	s1 =	srdreg.scid;
	s3 =	rddreg [dreg:$0x0]  }
0x2: {  	s0 =	stileid.u32;
	s6 =	rddreg [dreg:$0x1]  }
0x3: {  	s2 =	simm.s32 $0x0;
	s10 =	simm.s32 $0x80;
	s11 =	simm.s32 $0x400  }
0x4: {  	s12 =	simm.s32 $0x2400;
	s13 =	simm.s32 $0x4000;
	s4 =	sand.u32 $0x1, s1  }
0x5: {  	s5 =	sshll.u32 s0, $0x9;
	s1 =	rddreg [dreg:$0x2];
	s7 =	sshll.u32 s4, $0x8  }
0x6: {  	s14 =	simm.s32 $0x0;
	[smem:$0x7FF] =	sst s2;
	s5 =	sor.u32 s7, s5  }
0x7: {  	s30 =	sshll.u32 s0, $0x11;
	s4 =	ssub.s32 $0x2, s4;
	s8 =	sand.u32 $0x300, s5  }
0x8: {  	_ =	strace $0x8000004A;
	s31 =	sshrl.u32 s4, $0x1;
	s7 =	sor.u32 s30, s8  }
0x9: {  	s5 =	sadd.s32 s5, s3;
	s3 =	sadd.s32 $0x3C00, s3;
	s7 =	sshrl.u32 s7, $0x3  }
0xa: {  	s8 =	ssub.s32 s4, s31;
	s9 =	sor.u32 $0x6400, s7;
	s7 =	sor.u32 $0x6410, s7  }
0xb: {  	s4 =	sadd.s32 $0x1C00, s5;
	s5 =	sadd.s32 s6, s9;
	s6 =	sadd.s32 s6, s7  }
0xc: {  	s7 =	smax.u32 s8, $0x1;
	s8 =	simm.s32 $0x1;
	s9 =	simm.s32 $0x800  }
.LBB2_1:
0xd: {  	[tilespmem:s2], [sflag:$0x1] =	stream.linear.gather [hbm4b:s4+s2], $0x800, $0x38;
	[tilespmem:$0x5C00] =	vst v63  }
0xe: {  	_ =	swait.ge [sflag:s8], $0x800  }
0xf: {  	[sflag:s8] =	ssyncset.done $0x0  }
0x10: {  	[sflag:s8] =	ssyncadd.s32 $0xFFFFF800  }
0x11: {  	[tilespmem:s9], [sflag:$0x1] =	stream.linear.gather [hbm4b:s3+s2], $0x1C00, $0x38;
	[tilespmem:$0x5C00] =	vst v63  }
0x12: {  	_ =	swait.ge [sflag:s8], $0x1C00  }
0x13: {  	s15 =	simm.s32 $0xFFFFFFF8;
	s16 =	simm.s32 $0xA00;
	[sflag:s8] =	ssyncset.done $0x0  }
0x14: {  	s17 =	simm.s32 $0x2600;
	s18 =	simm.s32 $0x4200;
	[sflag:s8] =	ssyncadd.s32 $0xFFFFE400  }
.LBB2_2:
0x15: {  	v0 =	vld [tilespmem:s16+$0xFFFFFE00];
	_ =	sdelay $0x4  }
0x16: {  	v1 =	vadd.s32 $0x400, v0;
	_ =	sdelay $0x3  }
0x17: {  	v0 =	vld.idx.msk [tilespmem:v0+s2+$0x0], $0xffff  }
0x18: {  	v1 =	vld.idx.msk [tilespmem:v1+s2+$0x0], $0xffff;
	_ =	sdelay $0x3  }
0x19: {  	[tilespmem:s17+$0xFFFFFE00] =	vst v0  }
0x1a: {  	[tilespmem:s18+$0xFFFFFE00] =	vst v1  }
0x1b: {  	v0 =	vld [tilespmem:s16+$0xFFFFFE10];
	_ =	sdelay $0x3  }
0x1c: {  	v2 =	vld [tilespmem:s16+$0xFFFFFE80]  }
0x1d: {  	v55 =	vadd.s32 $0x400, v0;
	_ =	sdelay $0x3  }
0x1e: {  	v56 =	vadd.s32 $0x400, v2;
	v0 =	vld.idx.msk [tilespmem:v0+s2+$0x0], $0xffff  }
0x1f: {  	v1 =	vld.idx.msk [tilespmem:v55+s2+$0x0], $0xffff;
	_ =	sdelay $0x2  }
0x20: {  	v2 =	vld.idx.msk [tilespmem:v2+s2+$0x0], $0xffff  }
0x21: {  	[tilespmem:s17+$0xFFFFFE10] =	vst v0;
	v0 =	vld.idx.msk [tilespmem:v56+s2+$0x0], $0xffff  }
0x22: {  	[tilespmem:s18+$0xFFFFFE10] =	vst v1  }
0x23: {  	v1 =	vld [tilespmem:s16+$0xFFFFFE20];
	_ =	sdelay $0x1  }
0x24: {  	[tilespmem:s17+$0xFFFFFE80] =	vst v2  }
0x25: {  	[tilespmem:s18+$0xFFFFFE80] =	vst v0  }
0x26: {  	v0 =	vld [tilespmem:s16+$0xFFFFFE90]  }
0x27: {  	v3 =	vadd.s32 $0x400, v1;
	_ =	sdelay $0x3  }
0x28: {  	v1 =	vld.idx.msk [tilespmem:v1+s2+$0x0], $0xffff;
	v58 =	vadd.s32 $0x400, v0  }
0x29: {  	v57 =	vld.idx.msk [tilespmem:v3+s2+$0x0], $0xffff;
	_ =	sdelay $0x2  }
0x2a: {  	v0 =	vld.idx.msk [tilespmem:v0+s2+$0x0], $0xffff  }
0x2b: {  	[tilespmem:s17+$0xFFFFFE20] =	vst v1;
	v1 =	vld.idx.msk [tilespmem:v58+s2+$0x0], $0xffff  }
0x2c: {  	v4 =	vld [tilespmem:s16+$0xFFFFFF80];
	[tilespmem:s18+$0xFFFFFE20] =	vst v57  }
0x2d: {  	v2 =	vld [tilespmem:s16+$0xFFFFFE30];
	_ =	sdelay $0x1  }
0x2e: {  	[tilespmem:s17+$0xFFFFFE90] =	vst v0  }
0x2f: {  	[tilespmem:s18+$0xFFFFFE90] =	vst v1  }
0x30: {  	v1 =	vld [tilespmem:s16+$0xFFFFFEA0]  }
0x31: {  	v62 =	vld [tilespmem:s16+$0xFFFFFF00];
	v59 =	vadd.s32 $0x400, v2  }
0x32: {  	v6 =	vadd.s32 $0x400, v4;
	_ =	sdelay $0x1  }
0x33: {  	v4 =	vld.idx.msk [tilespmem:v4+s2+$0x0], $0xffff  }
0x34: {  	v60 =	vld.idx.msk [tilespmem:v2+s2+$0x0], $0xffff;
	v63 =	vadd.s32 $0x400, v1  }
0x35: {  	v5 =	vadd.s32 $0x400, v62;
	v61 =	vld.idx.msk [tilespmem:v59+s2+$0x0], $0xffff  }
0x36: {  	v9 =	vld.idx.msk [tilespmem:v6+s2+$0x0], $0xffff  }
0x37: {  	v1 =	vld.idx.msk [tilespmem:v1+s2+$0x0], $0xffff  }
0x38: {  	[tilespmem:s17+$0xFFFFFF80] =	vst v4;
	v3 =	vld.idx.msk [tilespmem:v62+s2+$0x0], $0xffff  }
0x39: {  	[tilespmem:s17+$0xFFFFFE30] =	vst v60;
	v0 =	vld.idx.msk [tilespmem:v63+s2+$0x0], $0xffff  }
0x3a: {  	v5 =	vld.idx.msk [tilespmem:v5+s2+$0x0], $0xffff;
	[tilespmem:s18+$0xFFFFFE30] =	vst v61  }
0x3b: {  	[tilespmem:s18+$0xFFFFFF80] =	vst v9;
	v2 =	vld [tilespmem:s16+$0xFFFFFE40]  }
0x3c: {  	[tilespmem:s17+$0xFFFFFEA0] =	vst v1;
	v1 =	vld [tilespmem:s16+$0xFFFFFF90]  }
0x3d: {  	[tilespmem:s17+$0xFFFFFF00] =	vst v3  }
0x3e: {  	[tilespmem:s18+$0xFFFFFEA0] =	vst v0  }
0x3f: {  	[tilespmem:s18+$0xFFFFFF00] =	vst v5;
	v0 =	vld [tilespmem:s16+$0xFFFFFEB0]  }
0x40: {  	v5 =	vld [tilespmem:s16+$0xFFFFFF10];
	v7 =	vadd.s32 $0x400, v2  }
0x41: {  	v13 =	vadd.s32 $0x400, v1;
	_ =	sdelay $0x1  }
0x42: {  	v2 =	vld.idx.msk [tilespmem:v2+s2+$0x0], $0xffff  }
0x43: {  	v11 =	vadd.s32 $0x400, v0;
	v1 =	vld.idx.msk [tilespmem:v1+s2+$0x0], $0xffff  }
0x44: {  	v12 =	vadd.s32 $0x400, v5;
	v10 =	vld.idx.msk [tilespmem:v7+s2+$0x0], $0xffff  }
0x45: {  	v15 =	vld.idx.msk [tilespmem:v13+s2+$0x0], $0xffff  }
0x46: {  	v0 =	vld.idx.msk [tilespmem:v0+s2+$0x0], $0xffff  }
0x47: {  	v5 =	vld.idx.msk [tilespmem:v5+s2+$0x0], $0xffff;
	[tilespmem:s17+$0xFFFFFE40] =	vst v2  }
0x48: {  	v2 =	vld.idx.msk [tilespmem:v11+s2+$0x0], $0xffff;
	[tilespmem:s17+$0xFFFFFF90] =	vst v1  }
0x49: {  	v4 =	vld.idx.msk [tilespmem:v12+s2+$0x0], $0xffff;
	[tilespmem:s18+$0xFFFFFE40] =	vst v10  }
0x4a: {  	[tilespmem:s18+$0xFFFFFF90] =	vst v15;
	v3 =	vld [tilespmem:s16+$0xFFFFFE50]  }
0x4b: {  	[tilespmem:s17+$0xFFFFFEB0] =	vst v0;
	v0 =	vld [tilespmem:s16+$0xFFFFFFA0]  }
0x4c: {  	[tilespmem:s17+$0xFFFFFF10] =	vst v5  }
0x4d: {  	v24 =	vld [tilespmem:s16+$0x0];
	[tilespmem:s18+$0xFFFFFEB0] =	vst v2  }
0x4e: {  	[tilespmem:s18+$0xFFFFFF10] =	vst v4;
	v2 =	vld [tilespmem:s16+$0xFFFFFEC0]  }
0x4f: {  	v4 =	vld [tilespmem:s16+$0xFFFFFF20];
	v14 =	vadd.s32 $0x400, v3  }
0x50: {  	v26 =	vld [tilespmem:s16+$0x80];
	v19 =	vadd.s32 $0x400, v0  }
0x51: {  	v29 =	vld [tilespmem:s16+$0x180]  }
0x52: {  	v3 =	vld.idx.msk [tilespmem:v3+s2+$0x0], $0xffff  }
0x53: {  	v17 =	vadd.s32 $0x400, v2;
	v0 =	vld.idx.msk [tilespmem:v0+s2+$0x0], $0xffff  }
0x54: {  	v18 =	vadd.s32 $0x400, v4;
	v16 =	vld.idx.msk [tilespmem:v14+s2+$0x0], $0xffff  }
0x55: {  	v20 =	vld.idx.msk [tilespmem:v19+s2+$0x0], $0xffff  }
0x56: {  	v2 =	vld.idx.msk [tilespmem:v2+s2+$0x0], $0xffff  }
0x57: {  	v4 =	vld.idx.msk [tilespmem:v4+s2+$0x0], $0xffff;
	[tilespmem:s17+$0xFFFFFE50] =	vst v3  }
0x58: {  	v9 =	vadd.s32 $0x400, v24;
	v1 =	vld.idx.msk [tilespmem:v17+s2+$0x0], $0xffff;
	[tilespmem:s17+$0xFFFFFFA0] =	vst v0  }
0x59: {  	v3 =	vld.idx.msk [tilespmem:v18+s2+$0x0], $0xffff;
	[tilespmem:s18+$0xFFFFFE50] =	vst v16  }
0x5a: {  	[tilespmem:s18+$0xFFFFFFA0] =	vst v20;
	v5 =	vld [tilespmem:s16+$0xFFFFFE60]  }
0x5b: {  	[tilespmem:s17+$0xFFFFFEC0] =	vst v2;
	v2 =	vld [tilespmem:s16+$0xFFFFFFB0]  }
0x5c: {  	v28 =	vld [tilespmem:s16+$0x100];
	v10 =	vadd.s32 $0x400, v29;
	[tilespmem:s17+$0xFFFFFF20] =	vst v4  }
0x5d: {  	v27 =	vld.idx.msk [tilespmem:v9+s2+$0x0], $0xffff;
	[tilespmem:s18+$0xFFFFFEC0] =	vst v1  }
0x5e: {  	[tilespmem:s18+$0xFFFFFF20] =	vst v3;
	v1 =	vld [tilespmem:s16+$0xFFFFFED0]  }
0x5f: {  	v3 =	vld [tilespmem:s16+$0xFFFFFF30];
	v21 =	vadd.s32 $0x400, v5  }
0x60: {  	v7 =	vld.idx.msk [tilespmem:v24+s2+$0x0], $0xffff;
	v8 =	vadd.s32 $0x400, v2  }
0x61: {  	v35 =	vld.idx.msk [tilespmem:v10+s2+$0x0], $0xffff  }
0x62: {  	v5 =	vld.idx.msk [tilespmem:v5+s2+$0x0], $0xffff  }
0x63: {  	v22 =	vadd.s32 $0x400, v1;
	v2 =	vld.idx.msk [tilespmem:v2+s2+$0x0], $0xffff  }
0x64: {  	v0 =	vld.idx.msk [tilespmem:v21+s2+$0x0], $0xffff  }
0x65: {  	v23 =	vadd.s32 $0x400, v3;
	v25 =	vld.idx.msk [tilespmem:v8+s2+$0x0], $0xffff  }
0x66: {  	v1 =	vld.idx.msk [tilespmem:v1+s2+$0x0], $0xffff  }
0x67: {  	[tilespmem:s17+$0x0] =	vst v7;
	v3 =	vld.idx.msk [tilespmem:v3+s2+$0x0], $0xffff  }
0x68: {  	v31 =	vadd.s32 $0x400, v26;
	[tilespmem:s18+$0x0] =	vst v27;
	v4 =	vld.idx.msk [tilespmem:v22+s2+$0x0], $0xffff  }
0x69: {  	v33 =	vadd.s32 $0x400, v28;
	[tilespmem:s17+$0xFFFFFFB0] =	vst v2;
	v2 =	vld.idx.msk [tilespmem:v29+s2+$0x0], $0xffff  }
0x6a: {  	v6 =	vld.idx.msk [tilespmem:v23+s2+$0x0], $0xffff;
	[tilespmem:s17+$0xFFFFFE60] =	vst v5  }
0x6b: {  	[tilespmem:s17+$0xFFFFFED0] =	vst v1;
	v1 =	vld.idx.msk [tilespmem:v26+s2+$0x0], $0xffff  }
0x6c: {  	[tilespmem:s17+$0xFFFFFF30] =	vst v3;
	v3 =	vld.idx.msk [tilespmem:v28+s2+$0x0], $0xffff  }
0x6d: {  	v7 =	vld.idx.msk [tilespmem:v31+s2+$0x0], $0xffff;
	[tilespmem:s18+$0xFFFFFED0] =	vst v4  }
0x6e: {  	v5 =	vld.idx.msk [tilespmem:v33+s2+$0x0], $0xffff;
	[tilespmem:s17+$0x180] =	vst v2  }
0x6f: {  	v4 =	vld [tilespmem:s16+$0x10];
	[tilespmem:s18+$0x180] =	vst v35  }
0x70: {  	[tilespmem:s17+$0x80] =	vst v1  }
0x71: {  	[tilespmem:s17+$0x100] =	vst v3  }
0x72: {  	v1 =	vld [tilespmem:s16+$0x190];
	[tilespmem:s18+$0x80] =	vst v7  }
0x73: {  	[tilespmem:s18+$0x100] =	vst v5;
	v37 =	vld [tilespmem:s16+$0x90]  }
0x74: {  	[tilespmem:s18+$0xFFFFFE60] =	vst v0;
	v11 =	vadd.s32 $0x400, v4;
	v5 =	vld [tilespmem:s16+$0x110]  }
0x75: {  	[tilespmem:s18+$0xFFFFFFB0] =	vst v25;
	v0 =	vld [tilespmem:s16+$0xFFFFFE70]  }
0x76: {  	v34 =	vld [tilespmem:s16+$0xFFFFFFC0];
	[tilespmem:s18+$0xFFFFFF30] =	vst v6  }
0x77: {  	v32 =	vld [tilespmem:s16+$0xFFFFFF40]  }
0x78: {  	v4 =	vld.idx.msk [tilespmem:v4+s2+$0x0], $0xffff;
	v12 =	vadd.s32 $0x400, v1  }
0x79: {  	v38 =	vld.idx.msk [tilespmem:v11+s2+$0x0], $0xffff;
	v41 =	vadd.s32 $0x400, v37  }
0x7a: {  	v42 =	vadd.s32 $0x400, v5;
	v1 =	vld.idx.msk [tilespmem:v1+s2+$0x0], $0xffff  }
0x7b: {  	v10 =	vld.idx.msk [tilespmem:v37+s2+$0x0], $0xffff  }
0x7c: {  	v5 =	vld.idx.msk [tilespmem:v5+s2+$0x0], $0xffff  }
0x7d: {  	[tilespmem:s17+$0x10] =	vst v4;
	v44 =	vld.idx.msk [tilespmem:v12+s2+$0x0], $0xffff  }
0x7e: {  	[tilespmem:s18+$0x10] =	vst v38;
	v4 =	vld.idx.msk [tilespmem:v41+s2+$0x0], $0xffff  }
0x7f: {  	v11 =	vld.idx.msk [tilespmem:v42+s2+$0x0], $0xffff;
	[tilespmem:s17+$0x190] =	vst v1  }
0x80: {  	v3 =	vld [tilespmem:s16+$0x20];
	[tilespmem:s17+$0x90] =	vst v10  }
0x81: {  	v30 =	vld [tilespmem:s16+$0xFFFFFEE0];
	[tilespmem:s17+$0x110] =	vst v5  }
0x82: {  	v40 =	vadd.s32 $0x400, v34;
	v9 =	vld.idx.msk [tilespmem:v34+s2+$0x0], $0xffff;
	[tilespmem:s18+$0x190] =	vst v44  }
0x83: {  	v47 =	vld [tilespmem:s16+$0x1A0];
	[tilespmem:s18+$0x90] =	vst v4  }
0x84: {  	[tilespmem:s18+$0x110] =	vst v11;
	v10 =	vld [tilespmem:s16+$0xA0]  }
0x85: {  	v43 =	vadd.s32 $0x400, v3;
	v5 =	vld [tilespmem:s16+$0x120]  }
0x86: {  	v19 =	vld.idx.msk [tilespmem:v0+s2+$0x0], $0xffff  }
0x87: {  	v8 =	vld.idx.msk [tilespmem:v40+s2+$0x0], $0xffff  }
0x88: {  	v39 =	vld.idx.msk [tilespmem:v32+s2+$0x0], $0xffff  }
0x89: {  	v3 =	vld.idx.msk [tilespmem:v3+s2+$0x0], $0xffff;
	v51 =	vadd.s32 $0x400, v47  }
0x8a: {  	v2 =	vld.idx.msk [tilespmem:v43+s2+$0x0], $0xffff;
	v48 =	vadd.s32 $0x400, v10  }
0x8b: {  	v50 =	vadd.s32 $0x400, v5;
	v6 =	vld.idx.msk [tilespmem:v47+s2+$0x0], $0xffff  }
0x8c: {  	[tilespmem:s17+$0xFFFFFFC0] =	vst v9;
	v10 =	vld.idx.msk [tilespmem:v10+s2+$0x0], $0xffff  }
0x8d: {  	[tilespmem:s18+$0xFFFFFFC0] =	vst v8;
	v5 =	vld.idx.msk [tilespmem:v5+s2+$0x0], $0xffff  }
0x8e: {  	v36 =	vadd.s32 $0x400, v32;
	[tilespmem:s17+$0x20] =	vst v3;
	v53 =	vld.idx.msk [tilespmem:v51+s2+$0x0], $0xffff  }
0x8f: {  	[tilespmem:s18+$0x20] =	vst v2;
	v3 =	vld.idx.msk [tilespmem:v48+s2+$0x0], $0xffff  }
0x90: {  	v8 =	vld.idx.msk [tilespmem:v50+s2+$0x0], $0xffff;
	[tilespmem:s17+$0x1A0] =	vst v6  }
0x91: {  	v2 =	vld [tilespmem:s16+$0x30];
	[tilespmem:s17+$0xA0] =	vst v10  }
0x92: {  	v0 =	vadd.s32 $0x400, v0;
	v46 =	vld.idx.msk [tilespmem:v30+s2+$0x0], $0xffff;
	[tilespmem:s17+$0x120] =	vst v5  }
0x93: {  	v7 =	vld.idx.msk [tilespmem:v36+s2+$0x0], $0xffff;
	[tilespmem:s18+$0x1A0] =	vst v53  }
0x94: {  	v10 =	vld [tilespmem:s16+$0x1B0];
	[tilespmem:s18+$0xA0] =	vst v3  }
0x95: {  	[tilespmem:s18+$0x120] =	vst v8;
	v55 =	vld [tilespmem:s16+$0xB0]  }
0x96: {  	v52 =	vadd.s32 $0x400, v2;
	v8 =	vld [tilespmem:s16+$0x130]  }
0x97: {  	v0 =	vld.idx.msk [tilespmem:v0+s2+$0x0], $0xffff;
	[tilespmem:s17+$0xFFFFFF40] =	vst v39  }
0x98: {  	v9 =	vld [tilespmem:s16+$0xFFFFFFD0];
	[tilespmem:s18+$0xFFFFFF40] =	vst v7  }
0x99: {  	v49 =	vld [tilespmem:s16+$0xFFFFFF50]  }
0x9a: {  	v2 =	vld.idx.msk [tilespmem:v2+s2+$0x0], $0xffff;
	v13 =	vadd.s32 $0x400, v10  }
0x9b: {  	v56 =	vld.idx.msk [tilespmem:v52+s2+$0x0], $0xffff;
	v59 =	vadd.s32 $0x400, v55  }
0x9c: {  	v60 =	vadd.s32 $0x400, v8;
	v15 =	vld.idx.msk [tilespmem:v10+s2+$0x0], $0xffff  }
0x9d: {  	v11 =	vld.idx.msk [tilespmem:v55+s2+$0x0], $0xffff  }
0x9e: {  	v62 =	vld.idx.msk [tilespmem:v8+s2+$0x0], $0xffff  }
0x9f: {  	v58 =	vadd.s32 $0x400, v9;
	[tilespmem:s17+$0x30] =	vst v2;
	v16 =	vld.idx.msk [tilespmem:v13+s2+$0x0], $0xffff  }
0xa0: {  	[tilespmem:s18+$0x30] =	vst v56;
	v61 =	vld.idx.msk [tilespmem:v59+s2+$0x0], $0xffff  }
0xa1: {  	v14 =	vld.idx.msk [tilespmem:v60+s2+$0x0], $0xffff;
	[tilespmem:s17+$0x1B0] =	vst v15  }
0xa2: {  	v5 =	vld [tilespmem:s16+$0x40];
	[tilespmem:s17+$0xB0] =	vst v11  }
0xa3: {  	v45 =	vadd.s32 $0x400, v30;
	v9 =	vld.idx.msk [tilespmem:v9+s2+$0x0], $0xffff;
	[tilespmem:s17+$0x130] =	vst v62  }
0xa4: {  	v7 =	vld.idx.msk [tilespmem:v58+s2+$0x0], $0xffff;
	[tilespmem:s18+$0x1B0] =	vst v16  }
0xa5: {  	v20 =	vld [tilespmem:s16+$0x1C0];
	[tilespmem:s18+$0xB0] =	vst v61  }
0xa6: {  	[tilespmem:s18+$0x130] =	vst v14;
	v1 =	vld [tilespmem:s16+$0xC0]  }
0xa7: {  	v63 =	vadd.s32 $0x400, v5;
	v18 =	vld [tilespmem:s16+$0x140]  }
0xa8: {  	v4 =	vld.idx.msk [tilespmem:v45+s2+$0x0], $0xffff;
	[tilespmem:s17+$0xFFFFFFD0] =	vst v9  }
0xa9: {  	v57 =	vld.idx.msk [tilespmem:v49+s2+$0x0], $0xffff;
	[tilespmem:s18+$0xFFFFFFD0] =	vst v7  }
0xaa: {  	v25 =	vld [tilespmem:s16+$0xFFFFFFE0]  }
0xab: {  	v5 =	vld.idx.msk [tilespmem:v5+s2+$0x0], $0xffff;
	v26 =	vadd.s32 $0x400, v20  }
0xac: {  	v17 =	vld.idx.msk [tilespmem:v63+s2+$0x0], $0xffff;
	v22 =	vadd.s32 $0x400, v1  }
0xad: {  	v24 =	vadd.s32 $0x400, v18;
	v6 =	vld.idx.msk [tilespmem:v20+s2+$0x0], $0xffff  }
0xae: {  	[tilespmem:s17+$0xFFFFFEE0] =	vst v46;
	v1 =	vld.idx.msk [tilespmem:v1+s2+$0x0], $0xffff  }
0xaf: {  	v54 =	vadd.s32 $0x400, v49;
	[tilespmem:s18+$0xFFFFFEE0] =	vst v4;
	v4 =	vld.idx.msk [tilespmem:v18+s2+$0x0], $0xffff  }
0xb0: {  	[tilespmem:s17+$0x40] =	vst v5;
	v28 =	vld.idx.msk [tilespmem:v26+s2+$0x0], $0xffff  }
0xb1: {  	[tilespmem:s18+$0x40] =	vst v17;
	v5 =	vld.idx.msk [tilespmem:v22+s2+$0x0], $0xffff  }
0xb2: {  	v7 =	vld.idx.msk [tilespmem:v24+s2+$0x0], $0xffff;
	[tilespmem:s17+$0x1C0] =	vst v6  }
0xb3: {  	v2 =	vld [tilespmem:s16+$0x50];
	[tilespmem:s17+$0xC0] =	vst v1  }
0xb4: {  	v33 =	vadd.s32 $0x400, v25;
	v3 =	vld.idx.msk [tilespmem:v54+s2+$0x0], $0xffff;
	[tilespmem:s17+$0x140] =	vst v4  }
0xb5: {  	v21 =	vld [tilespmem:s16+$0xFFFFFEF0];
	[tilespmem:s18+$0x1C0] =	vst v28  }
0xb6: {  	v1 =	vld [tilespmem:s16+$0x1D0];
	[tilespmem:s18+$0xC0] =	vst v5  }
0xb7: {  	[tilespmem:s18+$0x140] =	vst v7;
	v30 =	vld [tilespmem:s16+$0xD0]  }
0xb8: {  	[tilespmem:s17+$0xFFFFFF50] =	vst v57;
	v27 =	vadd.s32 $0x400, v2;
	v7 =	vld [tilespmem:s16+$0x150]  }
0xb9: {  	v9 =	vld.idx.msk [tilespmem:v33+s2+$0x0], $0xffff;
	[tilespmem:s18+$0xFFFFFF50] =	vst v3  }
0xba: {  	v23 =	vld [tilespmem:s16+$0xFFFFFF60]  }
0xbb: {  	v10 =	vld.idx.msk [tilespmem:v25+s2+$0x0], $0xffff  }
0xbc: {  	v2 =	vld.idx.msk [tilespmem:v2+s2+$0x0], $0xffff;
	v36 =	vadd.s32 $0x400, v1  }
0xbd: {  	v31 =	vld.idx.msk [tilespmem:v27+s2+$0x0], $0xffff;
	v34 =	vadd.s32 $0x400, v30  }
0xbe: {  	v35 =	vadd.s32 $0x400, v7;
	v1 =	vld.idx.msk [tilespmem:v1+s2+$0x0], $0xffff  }
0xbf: {  	v11 =	vld.idx.msk [tilespmem:v30+s2+$0x0], $0xffff  }
0xc0: {  	[tilespmem:s17+$0xFFFFFFE0] =	vst v10;
	v7 =	vld.idx.msk [tilespmem:v7+s2+$0x0], $0xffff  }
0xc1: {  	v29 =	vadd.s32 $0x400, v23;
	[tilespmem:s17+$0x50] =	vst v2;
	v38 =	vld.idx.msk [tilespmem:v36+s2+$0x0], $0xffff  }
0xc2: {  	[tilespmem:s18+$0x50] =	vst v31;
	v2 =	vld.idx.msk [tilespmem:v34+s2+$0x0], $0xffff  }
0xc3: {  	v12 =	vld.idx.msk [tilespmem:v35+s2+$0x0], $0xffff;
	[tilespmem:s17+$0x1D0] =	vst v1  }
0xc4: {  	v4 =	vld [tilespmem:s16+$0x60];
	[tilespmem:s17+$0xD0] =	vst v11  }
0xc5: {  	v32 =	vld.idx.msk [tilespmem:v23+s2+$0x0], $0xffff;
	[tilespmem:s17+$0x150] =	vst v7  }
0xc6: {  	v5 =	vld.idx.msk [tilespmem:v29+s2+$0x0], $0xffff;
	[tilespmem:s18+$0x1D0] =	vst v38  }
0xc7: {  	v1 =	vld [tilespmem:s16+$0x1E0];
	[tilespmem:s18+$0xD0] =	vst v2  }
0xc8: {  	[tilespmem:s18+$0x150] =	vst v12;
	v2 =	vld [tilespmem:s16+$0xE0]  }
0xc9: {  	[tilespmem:s18+$0xFFFFFFE0] =	vst v9;
	v37 =	vadd.s32 $0x400, v4;
	v7 =	vld [tilespmem:s16+$0x160]  }
0xca: {  	v39 =	vld.idx.msk [tilespmem:v21+s2+$0x0], $0xffff;
	[tilespmem:s17+$0xFFFFFF60] =	vst v32  }
0xcb: {  	v42 =	vld [tilespmem:s16+$0xFFFFFFF0];
	[tilespmem:s18+$0xFFFFFF60] =	vst v5  }
0xcc: {  	v41 =	vld [tilespmem:s16+$0xFFFFFF70]  }
0xcd: {  	v4 =	vld.idx.msk [tilespmem:v4+s2+$0x0], $0xffff;
	v45 =	vadd.s32 $0x400, v1  }
0xce: {  	v6 =	vld.idx.msk [tilespmem:v37+s2+$0x0], $0xffff;
	v40 =	vadd.s32 $0x400, v2  }
0xcf: {  	v43 =	vadd.s32 $0x400, v7;
	v1 =	vld.idx.msk [tilespmem:v1+s2+$0x0], $0xffff  }
0xd0: {  	v2 =	vld.idx.msk [tilespmem:v2+s2+$0x0], $0xffff  }
0xd1: {  	v8 =	vadd.s32 $0x400, v21;
	v7 =	vld.idx.msk [tilespmem:v7+s2+$0x0], $0xffff  }
0xd2: {  	[tilespmem:s17+$0x60] =	vst v4;
	v12 =	vld.idx.msk [tilespmem:v45+s2+$0x0], $0xffff  }
0xd3: {  	[tilespmem:s18+$0x60] =	vst v6;
	v9 =	vld.idx.msk [tilespmem:v40+s2+$0x0], $0xffff  }
0xd4: {  	v6 =	vld.idx.msk [tilespmem:v43+s2+$0x0], $0xffff;
	[tilespmem:s17+$0x1E0] =	vst v1  }
0xd5: {  	v44 =	vld [tilespmem:s16+$0x70];
	[tilespmem:s17+$0xE0] =	vst v2  }
0xd6: {  	v8 =	vld.idx.msk [tilespmem:v8+s2+$0x0], $0xffff;
	v49 =	vadd.s32 $0x400, v42;
	[tilespmem:s17+$0x160] =	vst v7  }
0xd7: {  	v53 =	vld.idx.msk [tilespmem:v42+s2+$0x0], $0xffff;
	[tilespmem:s18+$0x1E0] =	vst v12  }
0xd8: {  	v46 =	vadd.s32 $0x400, v41;
	v52 =	vld [tilespmem:s16+$0x1F0];
	[tilespmem:s18+$0xE0] =	vst v9  }
0xd9: {  	[tilespmem:s18+$0x160] =	vst v6;
	v47 =	vld [tilespmem:s16+$0xF0]  }
0xda: {  	v50 =	vld [tilespmem:s16+$0x170];
	v51 =	vadd.s32 $0x400, v44  }
0xdb: {  	[tilespmem:s17+$0xFFFFFE70] =	vst v19;
	v55 =	vld.idx.msk [tilespmem:v49+s2+$0x0], $0xffff  }
0xdc: {  	[tilespmem:s18+$0xFFFFFE70] =	vst v0;
	v48 =	vld.idx.msk [tilespmem:v41+s2+$0x0], $0xffff  }
0xdd: {  	[tilespmem:s17+$0xFFFFFEF0] =	vst v39;
	v2 =	vld.idx.msk [tilespmem:v46+s2+$0x0], $0xffff  }
0xde: {  	[tilespmem:s18+$0xFFFFFEF0] =	vst v8;
	v56 =	vld.idx.msk [tilespmem:v44+s2+$0x0], $0xffff;
	v60 =	vadd.s32 $0x400, v52  }
0xdf: {  	[tilespmem:s17+$0xFFFFFFF0] =	vst v53;
	v54 =	vadd.s32 $0x400, v47;
	v58 =	vld.idx.msk [tilespmem:v51+s2+$0x0], $0xffff  }
0xe0: {  	[tilespmem:s18+$0xFFFFFFF0] =	vst v55;
	v57 =	vadd.s32 $0x400, v50;
	v3 =	vld.idx.msk [tilespmem:v52+s2+$0x0], $0xffff  }
0xe1: {  	[tilespmem:s17+$0xFFFFFF70] =	vst v48;
	v59 =	vld.idx.msk [tilespmem:v47+s2+$0x0], $0xffff  }
0xe2: {  	[tilespmem:s18+$0xFFFFFF70] =	vst v2;
	v1 =	vld.idx.msk [tilespmem:v50+s2+$0x0], $0xffff  }
0xe3: {  	[tilespmem:s17+$0x70] =	vst v56;
	v63 =	vld.idx.msk [tilespmem:v60+s2+$0x0], $0xffff  }
0xe4: {  	s15 =	sadd.s32 $0x8, s15;
	v61 =	vld.idx.msk [tilespmem:v54+s2+$0x0], $0xffff;
	[tilespmem:s18+$0x70] =	vst v58  }
0xe5: {  	p0 =	slt.u32 s15, $0x30;
	v62 =	vld.idx.msk [tilespmem:v57+s2+$0x0], $0xffff;
	[tilespmem:s17+$0x1F0] =	vst v3  }
.Ltmp0:
0xe6: {  	[tilespmem:s17+$0xF0] =	vst v59;
	(pc) =	sbr.rel @p0 .LBB2_2-.Ltmp0, $4  }
0xe7: {  	[tilespmem:s17+$0x170] =	vst v1  }
0xe8: {  	[tilespmem:s18+$0x1F0] =	vst v63  }
0xe9: {  	[tilespmem:s18+$0xF0] =	vst v61  }
0xea: {  	s16 =	sadd.s32 $0x400, s16;
	s17 =	sadd.s32 $0x400, s17;
	[tilespmem:s18+$0x170] =	vst v62;
	s18 =	sadd.s32 $0x400, s18  }
0xeb: {  	[hbm4b:s5+s10] =	stream.strided.scatter [tilespmem:s12], [sflag:$0x1], $0x1C00, s11, s10, $0x38;
	[tilespmem:$0x5C00] =	vst v63  }
0xec: {  	s14 =	sadd.s32 $0x1, s14;
	_ =	swait.ge [sflag:s8], $0x1C00  }
0xed: {  	p0 =	sne.s32 s14, s7;
	[sflag:s8] =	ssyncset.done $0x0  }
.Ltmp1:
0xee: {  	[sflag:s8] =	ssyncadd.s32 $0xFFFFE400;
	(pc) =	sbr.rel @p0 .LBB2_1-.Ltmp1, $4  }
0xef: {  	[hbm4b:s6+s10] =	stream.strided.scatter [tilespmem:s13], [sflag:$0x1], $0x1C00, s11, s10, $0x38;
	[tilespmem:$0x5C00] =	vst v63  }
0xf0: {  	_ =	swait.ge [sflag:s8], $0x1C00  }
0xf1: {  	[sflag:s8] =	ssyncset.done $0x0  }
0xf2: {  	[sflag:s8] =	ssyncadd.s32 $0xFFFFE400  }
0xf3: {  	_ =	sfence.sel $0x180000  }
0xf4: {  	[bflag:$0x0] =	sbarrier.arrive $0xFFFF  }
0xf5: {  	p0 =	sne.s32 s0, $0x0;
	_ =	strace $0x9000004A  }
0xf6: {  	s0 =	sadd.s32 @!p0 $0x100000, s1;
	[bflag:$0x2] =	sbarrier.arrive $0xFFFF  }
0xf7: {  	[sflag:s0] =	ssyncadd.tile.s32 @!p0 $0x1;
	_ =	shalt  }
.Lfunc_end2:
_tile_overlayer_lowered:
.L_overlay_start_2:
0xf8: {  	(tag) =	ssettag $0x2  }
0xf9: {  	s0 =	rddreg [dreg:$0x0];
	s2 =	stileid.u32  }
0xfa: {  	s1 =	rddreg [dreg:$0x1];
	p0 =	sne.s32 s2, $0x0  }
0xfb: {  	s3 =	rddreg [dreg:$0x2];
	[bflag:$0x3] =	sbarrier.arrive $0xFFFF;
	s2 =	simm.s32 @!p0 $0x1C01  }
0xfc: {  	[timem:s3], [sflag:s2] =	dma.local @!p0 [hbm:s0], s1  }
0xfd: {  	s0 =	simm.s32 @!p0 $0x1  }
0xfe: {  	_ =	swait.ge @!p0 [sflag:s0], s1  }
0xff: {  	s1 =	ssub.s32 @!p0 $0x0, s1;
	[sflag:s0] =	ssyncset.done @!p0 $0x0  }
0x100: {  	[sflag:s0] =	ssyncadd.s32 @!p0 s1  }
0x101: {  	[bflag:$0x3] =	sbarrier.arrive $0xFFFF  }
0x102: {  	_ =	shalt  }

</sc_bundles>
